<compile_context>
chip_gen: v7x
topology: tpu7x:2x2x1
jax: 0.10.2.dev20260603
libtpu: 0.0.44.dev20260713+nightly
codegen_flags: <defaults>
</compile_context>

<pallas_src>
import functools

import jax
import jax.numpy as jnp
from jax import lax
from jax.experimental import pallas as pl
from jax.experimental.pallas import tpu as pltpu
from jax.experimental.pallas import tpu_sc as plsc

N, E = 10000, 320000
F0, F1, F2, F3, BN = 128, 128, 64, 32, 16
ROWS = 1000

NC, NS = 2, 16
NW = NC * NS
CH = 128
NCHUNKS = 80
EPW = NCHUNKS * CH
E_PAD = NW * EPW
NROWS = 10240
RPT = NROWS // NS

_mesh = plsc.VectorSubcoreMesh(core_axis_name="c", subcore_axis_name="s",
                               num_cores=NC, num_subcores=NS)


def _sc_spmm(g, src_p, dst_p, zrows):
    F = g.shape[1]

    @functools.partial(
        pl.kernel,
        out_type=jax.ShapeDtypeStruct((NC, NROWS, F), jnp.float32),
        mesh=_mesh,
        scratch_types=[
            pltpu.VMEM_SHARED((NROWS, F), jnp.float32),
            pltpu.VMEM((CH,), jnp.int32),
            pltpu.VMEM((CH,), jnp.int32),
            pltpu.VMEM((CH, F), jnp.float32),
            pltpu.SemaphoreType.DMA,
        ],
    )
    def k(g_h, src_h, dst_h, z_h, out_h, acc_sh, sidx, didx, rows, sem):
        c = lax.axis_index("c")
        s = lax.axis_index("s")
        base_r = s * RPT
        for j in range(RPT // 64):
            pltpu.sync_copy(z_h, acc_sh.at[pl.ds(base_r + j * 64, 64)])
        plsc.subcore_barrier()
        base_e = (s * NC + c) * EPW

        def step(i, carry):
            off = base_e + i * CH
            pltpu.sync_copy(src_h.at[pl.ds(off, CH)], sidx)
            pltpu.sync_copy(dst_h.at[pl.ds(off, CH)], didx)
            pltpu.async_copy(g_h.at[sidx], rows, sem).wait()
            pltpu.sync_copy(rows, acc_sh.at[didx], add=True)
            return carry

        lax.fori_loop(0, NCHUNKS, step, 0)
        plsc.subcore_barrier()
        pltpu.sync_copy(acc_sh.at[pl.ds(base_r, RPT)],
                        out_h.at[c, pl.ds(base_r, RPT)])

    return k(g, src_p, dst_p, zrows)


def _sc_deg(dst_p, ones, zvec):

    @functools.partial(
        pl.kernel,
        out_type=jax.ShapeDtypeStruct((NC, NROWS), jnp.float32),
        mesh=_mesh,
        scratch_types=[
            pltpu.VMEM_SHARED((NROWS,), jnp.float32),
            pltpu.VMEM((CH,), jnp.int32),
            pltpu.VMEM((CH,), jnp.float32),
        ],
    )
    def k(dst_h, ones_h, z_h, out_h, cnt_sh, didx, ones_v):
        c = lax.axis_index("c")
        s = lax.axis_index("s")
        base_r = s * RPT
        pltpu.sync_copy(z_h, cnt_sh.at[pl.ds(base_r, RPT)])
        pltpu.sync_copy(ones_h, ones_v)
        plsc.subcore_barrier()
        base_e = (s * NC + c) * EPW

        def step(i, carry):
            off = base_e + i * CH
            pltpu.sync_copy(dst_h.at[pl.ds(off, CH)], didx)
            pltpu.sync_copy(ones_v, cnt_sh.at[didx], add=True)
            return carry

        lax.fori_loop(0, NCHUNKS, step, 0)
        plsc.subcore_barrier()
        pltpu.sync_copy(cnt_sh.at[pl.ds(base_r, RPT)],
                        out_h.at[c, pl.ds(base_r, RPT)])

    return k(dst_p, ones, zvec)


def _dis_from(cnt_ref):
    c = cnt_ref[0, 0, 0, :] + cnt_ref[1, 0, 0, :]
    return lax.rsqrt(c + 1.0)[:, None]


def _mm1_body(x_ref, w_ref, cnt_ref, g_ref):
    h = jnp.dot(x_ref[...], w_ref[...], preferred_element_type=jnp.float32)
    g_ref[...] = h * _dis_from(cnt_ref)


def _mm1(x, W, cnt4):
    return pl.pallas_call(
        _mm1_body,
        grid=(N // ROWS,),
        in_specs=[
            pl.BlockSpec((ROWS, x.shape[1]), lambda i: (i, 0)),
            pl.BlockSpec(W.shape, lambda i: (0, 0)),
            pl.BlockSpec((2, 1, 1, ROWS), lambda i: (0, i, 0, 0)),
        ],
        out_specs=pl.BlockSpec((ROWS, W.shape[1]), lambda i: (i, 0)),
        out_shape=jax.ShapeDtypeStruct((N, W.shape[1]), jnp.float32),
    )(x, W, cnt4)


def _layer_body(g_ref, acc_ref, cnt_ref, b_ref, w_ref, out_ref):
    dis = _dis_from(cnt_ref)
    f = dis * (acc_ref[0] + acc_ref[1] + g_ref[...]) + b_ref[...][None, :]
    f = jnp.maximum(f, 0.0)
    h = jnp.dot(f, w_ref[...], preferred_element_type=jnp.float32)
    out_ref[...] = h * dis


def _layer(g, acc, cnt4, b, W):
    K = g.shape[1]
    return pl.pallas_call(
        _layer_body,
        grid=(N // ROWS,),
        in_specs=[
            pl.BlockSpec((ROWS, K), lambda i: (i, 0)),
            pl.BlockSpec((2, ROWS, K), lambda i: (0, i, 0)),
            pl.BlockSpec((2, 1, 1, ROWS), lambda i: (0, i, 0, 0)),
            pl.BlockSpec(b.shape, lambda i: (0,)),
            pl.BlockSpec(W.shape, lambda i: (0, 0)),
        ],
        out_specs=pl.BlockSpec((ROWS, W.shape[1]), lambda i: (i, 0)),
        out_shape=jax.ShapeDtypeStruct((N, W.shape[1]), jnp.float32),
    )(g, acc, cnt4, b, W)


def _final_body(g_ref, acc_ref, cnt_ref, b_ref, watt_ref, wfc_ref, bfc_ref,
                wsc_ref, bsc_ref, out_ref):
    dis = lax.rsqrt(cnt_ref[0] + cnt_ref[1] + 1.0)[:, None]
    f = dis * (acc_ref[0][:, :F3] + acc_ref[1][:, :F3] + g_ref[...][:, :F3])         + b_ref[...][None, :]
    e1 = jnp.dot(f, watt_ref[...], preferred_element_type=jnp.float32)
    gc = jnp.mean(e1, axis=0, keepdims=True)
    tg = jnp.tanh(gc)
    sv = jnp.dot(f, tg.reshape(F3, 1), preferred_element_type=jnp.float32)
    sig = jax.nn.sigmoid(sv)
    rep = lax.dot_general(f, sig, (((0,), (0,)), ((), ())),
                          preferred_element_type=jnp.float32)
    sc = jnp.dot(rep.reshape(1, F3), wfc_ref[...], preferred_element_type=jnp.float32)
    sc = jnp.maximum(sc + bfc_ref[...][None, :], 0.0)
    s = jnp.sum(sc.reshape(BN, 1) * wsc_ref[...], axis=0, keepdims=True)
    out_ref[...] = jax.nn.sigmoid(s + bsc_ref[...][None, :])


def _final(g, acc, cnt2, b, Watt, Wfc, bfc, Wsc, bsc):
    return pl.pallas_call(
        _final_body,
        grid=(1,),
        in_specs=[
            pl.BlockSpec((N, F0), lambda i: (0, 0)),
            pl.BlockSpec((2, N, F0), lambda i: (0, 0, 0)),
            pl.BlockSpec((2, N), lambda i: (0, 0)),
            pl.BlockSpec((F3,), lambda i: (0,)),
            pl.BlockSpec((F3, F3), lambda i: (0, 0)),
            pl.BlockSpec((F3, BN), lambda i: (0, 0)),
            pl.BlockSpec((BN,), lambda i: (0,)),
            pl.BlockSpec((BN, 1), lambda i: (0, 0)),
            pl.BlockSpec((1,), lambda i: (0,)),
        ],
        out_specs=pl.BlockSpec((1, 1), lambda i: (0, 0)),
        out_shape=jax.ShapeDtypeStruct((1, 1), jnp.float32),
    )(g, acc, cnt2, b, Watt, Wfc, bfc, Wsc, bsc)


def kernel(features_1, edge_index_1, W1, b1, W2, b2, W3, b3, Watt, Wfc, bfc, Wsc, bsc):
    src = edge_index_1[0]
    dst = edge_index_1[1]
    pad = E_PAD - E
    src_p = jnp.concatenate([src, jnp.zeros((pad,), jnp.int32)])
    dst_p = jnp.concatenate([dst, jnp.full((pad,), N, jnp.int32)])

    ones = jnp.ones((CH,), jnp.float32)
    zvec = jnp.zeros((RPT,), jnp.float32)

    cnt = _sc_deg(dst_p, ones, zvec)
    cnt4 = cnt[:, :N].reshape(2, N // ROWS, 1, ROWS)
    cnt2 = cnt[:, :N]

    W2p = jnp.pad(W2, ((0, 0), (0, F0 - F2)))
    b2p = jnp.pad(b2, (0, F0 - F2))
    W3p = jnp.pad(W3, ((0, F0 - F2), (0, F0 - F3)))
    b3p = jnp.pad(b3, (0, F0 - F3))
    z64 = jnp.zeros((64, F0), jnp.float32)

    g1 = _mm1(features_1, W1, cnt4)
    acc1 = _sc_spmm(g1, src_p, dst_p, z64)
    g2 = _layer(g1, acc1, cnt4, b1, W2p)
    acc2 = _sc_spmm(g2, src_p, dst_p, z64)
    g3 = _layer(g2, acc2, cnt4, b2p, W3p)
    acc3 = _sc_spmm(g3, src_p, dst_p, z64)
    return _final(g3, acc3, cnt2, b3, Watt, Wfc, bfc, Wsc, bsc)

# --- scband reference (transcript-rebuilt; emitter-appended) ---
"""Pipeline reference for scband-sim-gnn-31456340476209 (READ-ONLY COPY).

The authoritative reference and input builder live on the scoring server;
editing this copy changes nothing except your own understanding.
"""

import jax, jax.numpy as jnp
import numpy as np

N, E = 10000, 320000
F0, F1, F2, F3, BN = 128, 128, 64, 32, 16

def setup_inputs(seed: int = 0) -> dict:
    key = jax.random.key(seed)
    ks = jax.random.split(key, 14)
    inp = {}
    inp['features_1'] = jax.random.normal(ks[0], (N, F0), dtype=jnp.float32)
    inp['edge_index_1'] = jax.random.randint(ks[1], (2, E), 0, N, dtype=jnp.int32)
    inp['W1'] = jax.random.normal(ks[2], (F0, F1), dtype=jnp.float32) * (1.0 / np.sqrt(F0))
    inp['b1'] = jnp.zeros((F1,), dtype=jnp.float32)
    inp['W2'] = jax.random.normal(ks[3], (F1, F2), dtype=jnp.float32) * (1.0 / np.sqrt(F1))
    inp['b2'] = jnp.zeros((F2,), dtype=jnp.float32)
    inp['W3'] = jax.random.normal(ks[4], (F2, F3), dtype=jnp.float32) * (1.0 / np.sqrt(F2))
    inp['b3'] = jnp.zeros((F3,), dtype=jnp.float32)
    inp['Watt'] = jax.random.normal(ks[5], (F3, F3), dtype=jnp.float32) * (1.0 / np.sqrt(F3))
    inp['Wfc'] = jax.random.normal(ks[6], (F3, BN), dtype=jnp.float32) * (1.0 / np.sqrt(F3))
    inp['bfc'] = jnp.zeros((BN,), dtype=jnp.float32)
    inp['Wsc'] = jax.random.normal(ks[7], (BN, 1), dtype=jnp.float32) * (1.0 / np.sqrt(BN))
    inp['bsc'] = jnp.zeros((1,), dtype=jnp.float32)
    return inp

def gcn_conv(x, edge_index, W, b):
    n = x.shape[0]
    loop = jnp.arange(n, dtype=edge_index.dtype)
    src = jnp.concatenate([edge_index[0], loop])
    dst = jnp.concatenate([edge_index[1], loop])
    deg = jnp.zeros((n,), dtype=x.dtype).at[dst].add(1.0)
    dis = jnp.where(deg > 0, deg ** -0.5, 0.0)
    norm = dis[src] * dis[dst]
    h = x @ W
    msg = h[src] * norm[:, None]
    out = jnp.zeros((n, W.shape[1]), dtype=x.dtype).at[dst].add(msg)
    return out + b

def attention_pool(emb, Watt):
    global_context = jnp.mean(emb @ Watt, axis=0)
    tg = jnp.tanh(global_context)
    sig = jax.nn.sigmoid(emb @ tg)
    rep = emb.T @ sig  # [F3]
    return rep.reshape(-1, 1)  # [F3, 1]

def reference(features_1, edge_index_1, W1, b1, W2, b2, W3, b3, Watt, Wfc, bfc, Wsc, bsc):
    f = gcn_conv(features_1, edge_index_1, W1, b1)
    f = jax.nn.relu(f)
    f = gcn_conv(f, edge_index_1, W2, b2)
    f = jax.nn.relu(f)
    f = gcn_conv(f, edge_index_1, W3, b3)
    pooled = attention_pool(f, Watt)          # [F3, 1]
    scores = pooled.T                          # [1, F3]
    scores = jax.nn.relu(scores @ Wfc + bfc)   # [1, BN]
    score = jax.nn.sigmoid(scores @ Wsc + bsc) # [1, 1]
    return score

if __name__ == "__main__":
    import jax
    _d = setup_inputs()
    print(jax.jit(kernel)(*tuple(_d.values())))

</pallas_src>

<mosaic_0001>
#map = affine_map<(d0, d1) -> (0, 0)>
#map1 = affine_map<(d0, d1) -> (0)>
#map2 = affine_map<(d0, d1) -> (0, 0, 0)>
module attributes {stable_mosaic.version = 14 : i64} {
  func.func @k(%arg0: i32, %arg1: i32, %arg2: memref<10000x128xf32, #tpu.memory_space<hbm>>, %arg3: memref<327680xi32, #tpu.memory_space<hbm>>, %arg4: memref<327680xi32, #tpu.memory_space<hbm>>, %arg5: memref<64x128xf32, #tpu.memory_space<hbm>>, %arg6: memref<2x10240x128xf32, #tpu.memory_space<hbm>>, %arg7: memref<10240x128xf32, #tpu.memory_space<vmem_shared>>, %arg8: memref<128xi32, #tpu.memory_space<vmem>>, %arg9: memref<128xi32, #tpu.memory_space<vmem>>, %arg10: memref<128x128xf32, #tpu.memory_space<vmem>>, %arg11: memref<!tpu.dma_semaphore, #tpu.memory_space<semaphore_mem>>) attributes {dimension_semantics = [#tpu.dimension_semantics<core_parallel>, #tpu.dimension_semantics<subcore_parallel>], iteration_bounds = array<i64: 2, 16>, scalar_prefetch = 0 : i64, scratch_operands = 5 : i64, tpu.core_type = #tpu.core_type<sc_vector_subcore>, window_params = [{transform_indices = #map}, {transform_indices = #map1}, {transform_indices = #map1}, {transform_indices = #map}, {transform_indices = #map2}]} {
    %mul3A = arith.constant 640 : i32
    %mul3A_0 = arith.muli %arg1, %mul3A : i32
    %add3A = arith.constant 0 : i32
    %add3A_1 = arith.addi %mul3A_0, %add3A : i32
    "tpu.region"() ({
      %run_scoped3A = tpu.sem_alloc : memref<!tpu.dma_semaphore, #tpu.memory_space<semaphore_mem>>
      %dma_start3A = arith.constant 0 : i32
      %dma_start3A_31 = tpu.memref_slice %arg7[%add3A_1, %dma_start3A] : memref<10240x128xf32, #tpu.memory_space<vmem_shared>> -> memref<64x128xf32, #tpu.memory_space<vmem_shared>>
      tpu.enqueue_dma source(%arg5 : memref<64x128xf32, #tpu.memory_space<hbm>>) target(%dma_start3A_31 : memref<64x128xf32, #tpu.memory_space<vmem_shared>>) target_semaphore(%run_scoped3A : memref<!tpu.dma_semaphore, #tpu.memory_space<semaphore_mem>>)
      %dma_wait3A = arith.constant 0 : i32
      %dma_wait3A_32 = tpu.memref_slice %arg7[%add3A_1, %dma_wait3A] : memref<10240x128xf32, #tpu.memory_space<vmem_shared>> -> memref<64x128xf32, #tpu.memory_space<vmem_shared>>
      tpu.wait_dma2 semaphore(%run_scoped3A : memref<!tpu.dma_semaphore, #tpu.memory_space<semaphore_mem>>) src(%arg5 : memref<64x128xf32, #tpu.memory_space<hbm>>) dst(%dma_wait3A_32 : memref<64x128xf32, #tpu.memory_space<vmem_shared>>)
      tpu.yield
    }) : () -> ()
    %add3A_2 = arith.constant 64 : i32
    %add3A_3 = arith.addi %mul3A_0, %add3A_2 : i32
    "tpu.region"() ({
      %run_scoped3A = tpu.sem_alloc : memref<!tpu.dma_semaphore, #tpu.memory_space<semaphore_mem>>
      %dma_start3A = arith.constant 0 : i32
      %dma_start3A_31 = tpu.memref_slice %arg7[%add3A_3, %dma_start3A] : memref<10240x128xf32, #tpu.memory_space<vmem_shared>> -> memref<64x128xf32, #tpu.memory_space<vmem_shared>>
      tpu.enqueue_dma source(%arg5 : memref<64x128xf32, #tpu.memory_space<hbm>>) target(%dma_start3A_31 : memref<64x128xf32, #tpu.memory_space<vmem_shared>>) target_semaphore(%run_scoped3A : memref<!tpu.dma_semaphore, #tpu.memory_space<semaphore_mem>>)
      %dma_wait3A = arith.constant 0 : i32
      %dma_wait3A_32 = tpu.memref_slice %arg7[%add3A_3, %dma_wait3A] : memref<10240x128xf32, #tpu.memory_space<vmem_shared>> -> memref<64x128xf32, #tpu.memory_space<vmem_shared>>
      tpu.wait_dma2 semaphore(%run_scoped3A : memref<!tpu.dma_semaphore, #tpu.memory_space<semaphore_mem>>) src(%arg5 : memref<64x128xf32, #tpu.memory_space<hbm>>) dst(%dma_wait3A_32 : memref<64x128xf32, #tpu.memory_space<vmem_shared>>)
      tpu.yield
    }) : () -> ()
    %add3A_4 = arith.constant 128 : i32
    %add3A_5 = arith.addi %mul3A_0, %add3A_4 : i32
    "tpu.region"() ({
      %run_scoped3A = tpu.sem_alloc : memref<!tpu.dma_semaphore, #tpu.memory_space<semaphore_mem>>
      %dma_start3A = arith.constant 0 : i32
      %dma_start3A_31 = tpu.memref_slice %arg7[%add3A_5, %dma_start3A] : memref<10240x128xf32, #tpu.memory_space<vmem_shared>> -> memref<64x128xf32, #tpu.memory_space<vmem_shared>>
      tpu.enqueue_dma source(%arg5 : memref<64x128xf32, #tpu.memory_space<hbm>>) target(%dma_start3A_31 : memref<64x128xf32, #tpu.memory_space<vmem_shared>>) target_semaphore(%run_scoped3A : memref<!tpu.dma_semaphore, #tpu.memory_space<semaphore_mem>>)
      %dma_wait3A = arith.constant 0 : i32
      %dma_wait3A_32 = tpu.memref_slice %arg7[%add3A_5, %dma_wait3A] : memref<10240x128xf32, #tpu.memory_space<vmem_shared>> -> memref<64x128xf32, #tpu.memory_space<vmem_shared>>
      tpu.wait_dma2 semaphore(%run_scoped3A : memref<!tpu.dma_semaphore, #tpu.memory_space<semaphore_mem>>) src(%arg5 : memref<64x128xf32, #tpu.memory_space<hbm>>) dst(%dma_wait3A_32 : memref<64x128xf32, #tpu.memory_space<vmem_shared>>)
      tpu.yield
    }) : () -> ()
    %add3A_6 = arith.constant 192 : i32
    %add3A_7 = arith.addi %mul3A_0, %add3A_6 : i32
    "tpu.region"() ({
      %run_scoped3A = tpu.sem_alloc : memref<!tpu.dma_semaphore, #tpu.memory_space<semaphore_mem>>
      %dma_start3A = arith.constant 0 : i32
      %dma_start3A_31 = tpu.memref_slice %arg7[%add3A_7, %dma_start3A] : memref<10240x128xf32, #tpu.memory_space<vmem_shared>> -> memref<64x128xf32, #tpu.memory_space<vmem_shared>>
      tpu.enqueue_dma source(%arg5 : memref<64x128xf32, #tpu.memory_space<hbm>>) target(%dma_start3A_31 : memref<64x128xf32, #tpu.memory_space<vmem_shared>>) target_semaphore(%run_scoped3A : memref<!tpu.dma_semaphore, #tpu.memory_space<semaphore_mem>>)
      %dma_wait3A = arith.constant 0 : i32
      %dma_wait3A_32 = tpu.memref_slice %arg7[%add3A_7, %dma_wait3A] : memref<10240x128xf32, #tpu.memory_space<vmem_shared>> -> memref<64x128xf32, #tpu.memory_space<vmem_shared>>
      tpu.wait_dma2 semaphore(%run_scoped3A : memref<!tpu.dma_semaphore, #tpu.memory_space<semaphore_mem>>) src(%arg5 : memref<64x128xf32, #tpu.memory_space<hbm>>) dst(%dma_wait3A_32 : memref<64x128xf32, #tpu.memory_space<vmem_shared>>)
      tpu.yield
    }) : () -> ()
    %add3A_8 = arith.constant 256 : i32
    %add3A_9 = arith.addi %mul3A_0, %add3A_8 : i32
    "tpu.region"() ({
      %run_scoped3A = tpu.sem_alloc : memref<!tpu.dma_semaphore, #tpu.memory_space<semaphore_mem>>
      %dma_start3A = arith.constant 0 : i32
      %dma_start3A_31 = tpu.memref_slice %arg7[%add3A_9, %dma_start3A] : memref<10240x128xf32, #tpu.memory_space<vmem_shared>> -> memref<64x128xf32, #tpu.memory_space<vmem_shared>>
      tpu.enqueue_dma source(%arg5 : memref<64x128xf32, #tpu.memory_space<hbm>>) target(%dma_start3A_31 : memref<64x128xf32, #tpu.memory_space<vmem_shared>>) target_semaphore(%run_scoped3A : memref<!tpu.dma_semaphore, #tpu.memory_space<semaphore_mem>>)
      %dma_wait3A = arith.constant 0 : i32
      %dma_wait3A_32 = tpu.memref_slice %arg7[%add3A_9, %dma_wait3A] : memref<10240x128xf32, #tpu.memory_space<vmem_shared>> -> memref<64x128xf32, #tpu.memory_space<vmem_shared>>
      tpu.wait_dma2 semaphore(%run_scoped3A : memref<!tpu.dma_semaphore, #tpu.memory_space<semaphore_mem>>) src(%arg5 : memref<64x128xf32, #tpu.memory_space<hbm>>) dst(%dma_wait3A_32 : memref<64x128xf32, #tpu.memory_space<vmem_shared>>)
      tpu.yield
    }) : () -> ()
    %add3A_10 = arith.constant 320 : i32
    %add3A_11 = arith.addi %mul3A_0, %add3A_10 : i32
    "tpu.region"() ({
      %run_scoped3A = tpu.sem_alloc : memref<!tpu.dma_semaphore, #tpu.memory_space<semaphore_mem>>
      %dma_start3A = arith.constant 0 : i32
      %dma_start3A_31 = tpu.memref_slice %arg7[%add3A_11, %dma_start3A] : memref<10240x128xf32, #tpu.memory_space<vmem_shared>> -> memref<64x128xf32, #tpu.memory_space<vmem_shared>>
      tpu.enqueue_dma source(%arg5 : memref<64x128xf32, #tpu.memory_space<hbm>>) target(%dma_start3A_31 : memref<64x128xf32, #tpu.memory_space<vmem_shared>>) target_semaphore(%run_scoped3A : memref<!tpu.dma_semaphore, #tpu.memory_space<semaphore_mem>>)
      %dma_wait3A = arith.constant 0 : i32
      %dma_wait3A_32 = tpu.memref_slice %arg7[%add3A_11, %dma_wait3A] : memref<10240x128xf32, #tpu.memory_space<vmem_shared>> -> memref<64x128xf32, #tpu.memory_space<vmem_shared>>
      tpu.wait_dma2 semaphore(%run_scoped3A : memref<!tpu.dma_semaphore, #tpu.memory_space<semaphore_mem>>) src(%arg5 : memref<64x128xf32, #tpu.memory_space<hbm>>) dst(%dma_wait3A_32 : memref<64x128xf32, #tpu.memory_space<vmem_shared>>)
      tpu.yield
    }) : () -> ()
    %add3A_12 = arith.constant 384 : i32
    %add3A_13 = arith.addi %mul3A_0, %add3A_12 : i32
    "tpu.region"() ({
      %run_scoped3A = tpu.sem_alloc : memref<!tpu.dma_semaphore, #tpu.memory_space<semaphore_mem>>
      %dma_start3A = arith.constant 0 : i32
      %dma_start3A_31 = tpu.memref_slice %arg7[%add3A_13, %dma_start3A] : memref<10240x128xf32, #tpu.memory_space<vmem_shared>> -> memref<64x128xf32, #tpu.memory_space<vmem_shared>>
      tpu.enqueue_dma source(%arg5 : memref<64x128xf32, #tpu.memory_space<hbm>>) target(%dma_start3A_31 : memref<64x128xf32, #tpu.memory_space<vmem_shared>>) target_semaphore(%run_scoped3A : memref<!tpu.dma_semaphore, #tpu.memory_space<semaphore_mem>>)
      %dma_wait3A = arith.constant 0 : i32
      %dma_wait3A_32 = tpu.memref_slice %arg7[%add3A_13, %dma_wait3A] : memref<10240x128xf32, #tpu.memory_space<vmem_shared>> -> memref<64x128xf32, #tpu.memory_space<vmem_shared>>
      tpu.wait_dma2 semaphore(%run_scoped3A : memref<!tpu.dma_semaphore, #tpu.memory_space<semaphore_mem>>) src(%arg5 : memref<64x128xf32, #tpu.memory_space<hbm>>) dst(%dma_wait3A_32 : memref<64x128xf32, #tpu.memory_space<vmem_shared>>)
      tpu.yield
    }) : () -> ()
    %add3A_14 = arith.constant 448 : i32
    %add3A_15 = arith.addi %mul3A_0, %add3A_14 : i32
    "tpu.region"() ({
      %run_scoped3A = tpu.sem_alloc : memref<!tpu.dma_semaphore, #tpu.memory_space<semaphore_mem>>
      %dma_start3A = arith.constant 0 : i32
      %dma_start3A_31 = tpu.memref_slice %arg7[%add3A_15, %dma_start3A] : memref<10240x128xf32, #tpu.memory_space<vmem_shared>> -> memref<64x128xf32, #tpu.memory_space<vmem_shared>>
      tpu.enqueue_dma source(%arg5 : memref<64x128xf32, #tpu.memory_space<hbm>>) target(%dma_start3A_31 : memref<64x128xf32, #tpu.memory_space<vmem_shared>>) target_semaphore(%run_scoped3A : memref<!tpu.dma_semaphore, #tpu.memory_space<semaphore_mem>>)
      %dma_wait3A = arith.constant 0 : i32
      %dma_wait3A_32 = tpu.memref_slice %arg7[%add3A_15, %dma_wait3A] : memref<10240x128xf32, #tpu.memory_space<vmem_shared>> -> memref<64x128xf32, #tpu.memory_space<vmem_shared>>
      tpu.wait_dma2 semaphore(%run_scoped3A : memref<!tpu.dma_semaphore, #tpu.memory_space<semaphore_mem>>) src(%arg5 : memref<64x128xf32, #tpu.memory_space<hbm>>) dst(%dma_wait3A_32 : memref<64x128xf32, #tpu.memory_space<vmem_shared>>)
      tpu.yield
    }) : () -> ()
    %add3A_16 = arith.constant 512 : i32
    %add3A_17 = arith.addi %mul3A_0, %add3A_16 : i32
    "tpu.region"() ({
      %run_scoped3A = tpu.sem_alloc : memref<!tpu.dma_semaphore, #tpu.memory_space<semaphore_mem>>
      %dma_start3A = arith.constant 0 : i32
      %dma_start3A_31 = tpu.memref_slice %arg7[%add3A_17, %dma_start3A] : memref<10240x128xf32, #tpu.memory_space<vmem_shared>> -> memref<64x128xf32, #tpu.memory_space<vmem_shared>>
      tpu.enqueue_dma source(%arg5 : memref<64x128xf32, #tpu.memory_space<hbm>>) target(%dma_start3A_31 : memref<64x128xf32, #tpu.memory_space<vmem_shared>>) target_semaphore(%run_scoped3A : memref<!tpu.dma_semaphore, #tpu.memory_space<semaphore_mem>>)
      %dma_wait3A = arith.constant 0 : i32
      %dma_wait3A_32 = tpu.memref_slice %arg7[%add3A_17, %dma_wait3A] : memref<10240x128xf32, #tpu.memory_space<vmem_shared>> -> memref<64x128xf32, #tpu.memory_space<vmem_shared>>
      tpu.wait_dma2 semaphore(%run_scoped3A : memref<!tpu.dma_semaphore, #tpu.memory_space<semaphore_mem>>) src(%arg5 : memref<64x128xf32, #tpu.memory_space<hbm>>) dst(%dma_wait3A_32 : memref<64x128xf32, #tpu.memory_space<vmem_shared>>)
      tpu.yield
    }) : () -> ()
    %add3A_18 = arith.constant 576 : i32
    %add3A_19 = arith.addi %mul3A_0, %add3A_18 : i32
    "tpu.region"() ({
      %run_scoped3A = tpu.sem_alloc : memref<!tpu.dma_semaphore, #tpu.memory_space<semaphore_mem>>
      %dma_start3A = arith.constant 0 : i32
      %dma_start3A_31 = tpu.memref_slice %arg7[%add3A_19, %dma_start3A] : memref<10240x128xf32, #tpu.memory_space<vmem_shared>> -> memref<64x128xf32, #tpu.memory_space<vmem_shared>>
      tpu.enqueue_dma source(%arg5 : memref<64x128xf32, #tpu.memory_space<hbm>>) target(%dma_start3A_31 : memref<64x128xf32, #tpu.memory_space<vmem_shared>>) target_semaphore(%run_scoped3A : memref<!tpu.dma_semaphore, #tpu.memory_space<semaphore_mem>>)
      %dma_wait3A = arith.constant 0 : i32
      %dma_wait3A_32 = tpu.memref_slice %arg7[%add3A_19, %dma_wait3A] : memref<10240x128xf32, #tpu.memory_space<vmem_shared>> -> memref<64x128xf32, #tpu.memory_space<vmem_shared>>
      tpu.wait_dma2 semaphore(%run_scoped3A : memref<!tpu.dma_semaphore, #tpu.memory_space<semaphore_mem>>) src(%arg5 : memref<64x128xf32, #tpu.memory_space<hbm>>) dst(%dma_wait3A_32 : memref<64x128xf32, #tpu.memory_space<vmem_shared>>)
      tpu.yield
    }) : () -> ()
    %barrier3A = arith.constant 0 : index
    tpu.barrier barrier_id(%barrier3A)
    %mul3A_20 = arith.constant 2 : i32
    %mul3A_21 = arith.muli %arg1, %mul3A_20 : i32
    %add3A_22 = arith.addi %mul3A_21, %arg0 : i32
    %mul3A_23 = arith.constant 10240 : i32
    %mul3A_24 = arith.muli %add3A_22, %mul3A_23 : i32
    %scan3A = arith.constant 0 : i32
    %scan3A_25 = arith.constant 0 : i32
    %scan3A_26 = arith.constant 80 : i32
    %scan3A_27 = arith.addi %scan3A_25, %scan3A_26 : i32
    %scan3A_28 = arith.constant 1 : i32
    scf.for %scan3A_31 = %scan3A_25 to %scan3A_27 step %scan3A_28  : i32 {
      %mul3A_32 = arith.constant 128 : i32
      %mul3A_33 = arith.muli %scan3A_31, %mul3A_32 : i32
      %add3A_34 = arith.addi %mul3A_24, %mul3A_33 : i32
      "tpu.region"() ({
        %run_scoped3A = tpu.sem_alloc : memref<!tpu.dma_semaphore, #tpu.memory_space<semaphore_mem>>
        %dma_start3A_39 = tpu.memref_slice %arg3[%add3A_34] : memref<327680xi32, #tpu.memory_space<hbm>> -> memref<128xi32, #tpu.memory_space<hbm>>
        %dma_start3A_40 = tpu.memref_slice %arg3[%add3A_34] : memref<327680xi32, #tpu.memory_space<hbm>> -> memref<128xi32, #tpu.memory_space<hbm>>
        tpu.enqueue_dma source(%dma_start3A_40 : memref<128xi32, #tpu.memory_space<hbm>>) target(%arg8 : memref<128xi32, #tpu.memory_space<vmem>>) target_semaphore(%run_scoped3A : memref<!tpu.dma_semaphore, #tpu.memory_space<semaphore_mem>>)
        %dma_wait3A_41 = tpu.memref_slice %arg3[%add3A_34] : memref<327680xi32, #tpu.memory_space<hbm>> -> memref<128xi32, #tpu.memory_space<hbm>>
        %dma_wait3A_42 = tpu.memref_slice %arg3[%add3A_34] : memref<327680xi32, #tpu.memory_space<hbm>> -> memref<128xi32, #tpu.memory_space<hbm>>
        tpu.wait_dma2 semaphore(%run_scoped3A : memref<!tpu.dma_semaphore, #tpu.memory_space<semaphore_mem>>) src(%dma_wait3A_42 : memref<128xi32, #tpu.memory_space<hbm>>) dst(%arg8 : memref<128xi32, #tpu.memory_space<vmem>>)
        tpu.yield
      }) : () -> ()
      "tpu.region"() ({
        %run_scoped3A = tpu.sem_alloc : memref<!tpu.dma_semaphore, #tpu.memory_space<semaphore_mem>>
        %dma_start3A_39 = tpu.memref_slice %arg4[%add3A_34] : memref<327680xi32, #tpu.memory_space<hbm>> -> memref<128xi32, #tpu.memory_space<hbm>>
        %dma_start3A_40 = tpu.memref_slice %arg4[%add3A_34] : memref<327680xi32, #tpu.memory_space<hbm>> -> memref<128xi32, #tpu.memory_space<hbm>>
        tpu.enqueue_dma source(%dma_start3A_40 : memref<128xi32, #tpu.memory_space<hbm>>) target(%arg9 : memref<128xi32, #tpu.memory_space<vmem>>) target_semaphore(%run_scoped3A : memref<!tpu.dma_semaphore, #tpu.memory_space<semaphore_mem>>)
        %dma_wait3A_41 = tpu.memref_slice %arg4[%add3A_34] : memref<327680xi32, #tpu.memory_space<hbm>> -> memref<128xi32, #tpu.memory_space<hbm>>
        %dma_wait3A_42 = tpu.memref_slice %arg4[%add3A_34] : memref<327680xi32, #tpu.memory_space<hbm>> -> memref<128xi32, #tpu.memory_space<hbm>>
        tpu.wait_dma2 semaphore(%run_scoped3A : memref<!tpu.dma_semaphore, #tpu.memory_space<semaphore_mem>>) src(%dma_wait3A_42 : memref<128xi32, #tpu.memory_space<hbm>>) dst(%arg9 : memref<128xi32, #tpu.memory_space<vmem>>)
        tpu.yield
      }) : () -> ()
      %dma_start3A = arith.constant 0 : i32
      %dma_start3A_35 = arith.constant 0 : i32
      %dma_start3A_36 = tpu.memref_slice %arg2[%dma_start3A, %dma_start3A_35] : memref<10000x128xf32, #tpu.memory_space<hbm>> -> memref<10000x128xf32, #tpu.memory_space<hbm>>
      tpu.enqueue_indirect_dma source(%dma_start3A_36 : memref<10000x128xf32, #tpu.memory_space<hbm>>) target(%arg10 : memref<128x128xf32, #tpu.memory_space<vmem>>) offsets(%arg8 : memref<128xi32, #tpu.memory_space<vmem>>) semaphore(%arg11 : memref<!tpu.dma_semaphore, #tpu.memory_space<semaphore_mem>>)
      %dma_wait3A = arith.constant 0 : i32
      %dma_wait3A_37 = arith.constant 0 : i32
      %dma_wait3A_38 = tpu.memref_slice %arg2[%dma_wait3A, %dma_wait3A_37] : memref<10000x128xf32, #tpu.memory_space<hbm>> -> memref<10000x128xf32, #tpu.memory_space<hbm>>
      tpu.wait_indirect_dma semaphore(%arg11 : memref<!tpu.dma_semaphore, #tpu.memory_space<semaphore_mem>>) src(%dma_wait3A_38 : memref<10000x128xf32, #tpu.memory_space<hbm>>) dst(%arg10 : memref<128x128xf32, #tpu.memory_space<vmem>>)
      "tpu.region"() ({
        %run_scoped3A = tpu.sem_alloc : memref<!tpu.dma_semaphore, #tpu.memory_space<semaphore_mem>>
        %dma_start3A_39 = arith.constant 0 : i32
        %dma_start3A_40 = arith.constant 0 : i32
        %dma_start3A_41 = tpu.memref_slice %arg7[%dma_start3A_39, %dma_start3A_40] : memref<10240x128xf32, #tpu.memory_space<vmem_shared>> -> memref<10240x128xf32, #tpu.memory_space<vmem_shared>>
        tpu.enqueue_indirect_dma source(%arg10 : memref<128x128xf32, #tpu.memory_space<vmem>>) target(%dma_start3A_41 : memref<10240x128xf32, #tpu.memory_space<vmem_shared>>) offsets(%arg9 : memref<128xi32, #tpu.memory_space<vmem>>) semaphore(%run_scoped3A : memref<!tpu.dma_semaphore, #tpu.memory_space<semaphore_mem>>) {add = true}
        %dma_wait3A_42 = arith.constant 0 : i32
        %dma_wait3A_43 = arith.constant 0 : i32
        %dma_wait3A_44 = tpu.memref_slice %arg7[%dma_wait3A_42, %dma_wait3A_43] : memref<10240x128xf32, #tpu.memory_space<vmem_shared>> -> memref<10240x128xf32, #tpu.memory_space<vmem_shared>>
        tpu.wait_indirect_dma semaphore(%run_scoped3A : memref<!tpu.dma_semaphore, #tpu.memory_space<semaphore_mem>>) src(%arg10 : memref<128x128xf32, #tpu.memory_space<vmem>>) dst(%dma_wait3A_44 : memref<10240x128xf32, #tpu.memory_space<vmem_shared>>)
        tpu.yield
      }) : () -> ()
    }
    %scan3A_29 = arith.constant 80 : i32
    %barrier3A_30 = arith.constant 0 : index
    tpu.barrier barrier_id(%barrier3A_30)
    "tpu.region"() ({
      %run_scoped3A = tpu.sem_alloc : memref<!tpu.dma_semaphore, #tpu.memory_space<semaphore_mem>>
      %dma_start3A = arith.constant 0 : i32
      %dma_start3A_31 = tpu.memref_slice %arg6[%arg0, %mul3A_0, %dma_start3A] : memref<2x10240x128xf32, #tpu.memory_space<hbm>> -> memref<1x640x128xf32, #tpu.memory_space<hbm>>
      %dma_start3A_32 = tpu.memref_squeeze %dma_start3A_31 : memref<1x640x128xf32, #tpu.memory_space<hbm>> -> memref<640x128xf32, #tpu.memory_space<hbm>>
      %dma_start3A_33 = arith.constant 0 : i32
      %dma_start3A_34 = tpu.memref_slice %arg7[%mul3A_0, %dma_start3A_33] : memref<10240x128xf32, #tpu.memory_space<vmem_shared>> -> memref<640x128xf32, #tpu.memory_space<vmem_shared>>
      tpu.enqueue_dma source(%dma_start3A_34 : memref<640x128xf32, #tpu.memory_space<vmem_shared>>) target(%dma_start3A_32 : memref<640x128xf32, #tpu.memory_space<hbm>>) target_semaphore(%run_scoped3A : memref<!tpu.dma_semaphore, #tpu.memory_space<semaphore_mem>>)
      %dma_wait3A = arith.constant 0 : i32
      %dma_wait3A_35 = tpu.memref_slice %arg6[%arg0, %mul3A_0, %dma_wait3A] : memref<2x10240x128xf32, #tpu.memory_space<hbm>> -> memref<1x640x128xf32, #tpu.memory_space<hbm>>
      %dma_wait3A_36 = tpu.memref_squeeze %dma_wait3A_35 : memref<1x640x128xf32, #tpu.memory_space<hbm>> -> memref<640x128xf32, #tpu.memory_space<hbm>>
      %dma_wait3A_37 = arith.constant 0 : i32
      %dma_wait3A_38 = tpu.memref_slice %arg7[%mul3A_0, %dma_wait3A_37] : memref<10240x128xf32, #tpu.memory_space<vmem_shared>> -> memref<640x128xf32, #tpu.memory_space<vmem_shared>>
      tpu.wait_dma2 semaphore(%run_scoped3A : memref<!tpu.dma_semaphore, #tpu.memory_space<semaphore_mem>>) src(%dma_wait3A_38 : memref<640x128xf32, #tpu.memory_space<vmem_shared>>) dst(%dma_wait3A_36 : memref<640x128xf32, #tpu.memory_space<hbm>>)
      tpu.yield
    }) : () -> ()
    return
  }
}

#map = affine_map<(d0, d1) -> (0)>
#map1 = affine_map<(d0, d1) -> (0, 0)>
module attributes {stable_mosaic.version = 14 : i64} {
  func.func @k(%arg0: i32, %arg1: i32, %arg2: memref<327680xi32, #tpu.memory_space<hbm>>, %arg3: memref<128xf32, #tpu.memory_space<hbm>>, %arg4: memref<640xf32, #tpu.memory_space<hbm>>, %arg5: memref<2x10240xf32, #tpu.memory_space<hbm>>, %arg6: memref<10240xf32, #tpu.memory_space<vmem_shared>>, %arg7: memref<128xi32, #tpu.memory_space<vmem>>, %arg8: memref<128xf32, #tpu.memory_space<vmem>>) attributes {dimension_semantics = [#tpu.dimension_semantics<core_parallel>, #tpu.dimension_semantics<subcore_parallel>], iteration_bounds = array<i64: 2, 16>, scalar_prefetch = 0 : i64, scratch_operands = 3 : i64, tpu.core_type = #tpu.core_type<sc_vector_subcore>, window_params = [{transform_indices = #map}, {transform_indices = #map}, {transform_indices = #map}, {transform_indices = #map1}]} {
    %mul3A = arith.constant 640 : i32
    %mul3A_0 = arith.muli %arg1, %mul3A : i32
    "tpu.region"() ({
      %run_scoped3A = tpu.sem_alloc : memref<!tpu.dma_semaphore, #tpu.memory_space<semaphore_mem>>
      %dma_start3A = tpu.memref_slice %arg6[%mul3A_0] : memref<10240xf32, #tpu.memory_space<vmem_shared>> -> memref<640xf32, #tpu.memory_space<vmem_shared>>
      tpu.enqueue_dma source(%arg4 : memref<640xf32, #tpu.memory_space<hbm>>) target(%dma_start3A : memref<640xf32, #tpu.memory_space<vmem_shared>>) target_semaphore(%run_scoped3A : memref<!tpu.dma_semaphore, #tpu.memory_space<semaphore_mem>>)
      %dma_wait3A = tpu.memref_slice %arg6[%mul3A_0] : memref<10240xf32, #tpu.memory_space<vmem_shared>> -> memref<640xf32, #tpu.memory_space<vmem_shared>>
      tpu.wait_dma2 semaphore(%run_scoped3A : memref<!tpu.dma_semaphore, #tpu.memory_space<semaphore_mem>>) src(%arg4 : memref<640xf32, #tpu.memory_space<hbm>>) dst(%dma_wait3A : memref<640xf32, #tpu.memory_space<vmem_shared>>)
      tpu.yield
    }) : () -> ()
    "tpu.region"() ({
      %run_scoped3A = tpu.sem_alloc : memref<!tpu.dma_semaphore, #tpu.memory_space<semaphore_mem>>
      tpu.enqueue_dma source(%arg3 : memref<128xf32, #tpu.memory_space<hbm>>) target(%arg8 : memref<128xf32, #tpu.memory_space<vmem>>) target_semaphore(%run_scoped3A : memref<!tpu.dma_semaphore, #tpu.memory_space<semaphore_mem>>)
      tpu.wait_dma2 semaphore(%run_scoped3A : memref<!tpu.dma_semaphore, #tpu.memory_space<semaphore_mem>>) src(%arg3 : memref<128xf32, #tpu.memory_space<hbm>>) dst(%arg8 : memref<128xf32, #tpu.memory_space<vmem>>)
      tpu.yield
    }) : () -> ()
    %barrier3A = arith.constant 0 : index
    tpu.barrier barrier_id(%barrier3A)
    %mul3A_1 = arith.constant 2 : i32
    %mul3A_2 = arith.muli %arg1, %mul3A_1 : i32
    %add3A = arith.addi %mul3A_2, %arg0 : i32
    %mul3A_3 = arith.constant 10240 : i32
    %mul3A_4 = arith.muli %add3A, %mul3A_3 : i32
    %scan3A = arith.constant 0 : i32
    %scan3A_5 = arith.constant 0 : i32
    %scan3A_6 = arith.constant 80 : i32
    %scan3A_7 = arith.addi %scan3A_5, %scan3A_6 : i32
    %scan3A_8 = arith.constant 1 : i32
    scf.for %scan3A_11 = %scan3A_5 to %scan3A_7 step %scan3A_8  : i32 {
      %mul3A_12 = arith.constant 128 : i32
      %mul3A_13 = arith.muli %scan3A_11, %mul3A_12 : i32
      %add3A_14 = arith.addi %mul3A_4, %mul3A_13 : i32
      "tpu.region"() ({
        %run_scoped3A = tpu.sem_alloc : memref<!tpu.dma_semaphore, #tpu.memory_space<semaphore_mem>>
        %dma_start3A = tpu.memref_slice %arg2[%add3A_14] : memref<327680xi32, #tpu.memory_space<hbm>> -> memref<128xi32, #tpu.memory_space<hbm>>
        %dma_start3A_15 = tpu.memref_slice %arg2[%add3A_14] : memref<327680xi32, #tpu.memory_space<hbm>> -> memref<128xi32, #tpu.memory_space<hbm>>
        tpu.enqueue_dma source(%dma_start3A_15 : memref<128xi32, #tpu.memory_space<hbm>>) target(%arg7 : memref<128xi32, #tpu.memory_space<vmem>>) target_semaphore(%run_scoped3A : memref<!tpu.dma_semaphore, #tpu.memory_space<semaphore_mem>>)
        %dma_wait3A = tpu.memref_slice %arg2[%add3A_14] : memref<327680xi32, #tpu.memory_space<hbm>> -> memref<128xi32, #tpu.memory_space<hbm>>
        %dma_wait3A_16 = tpu.memref_slice %arg2[%add3A_14] : memref<327680xi32, #tpu.memory_space<hbm>> -> memref<128xi32, #tpu.memory_space<hbm>>
        tpu.wait_dma2 semaphore(%run_scoped3A : memref<!tpu.dma_semaphore, #tpu.memory_space<semaphore_mem>>) src(%dma_wait3A_16 : memref<128xi32, #tpu.memory_space<hbm>>) dst(%arg7 : memref<128xi32, #tpu.memory_space<vmem>>)
        tpu.yield
      }) : () -> ()
      "tpu.region"() ({
        %run_scoped3A = tpu.sem_alloc : memref<!tpu.dma_semaphore, #tpu.memory_space<semaphore_mem>>
        %dma_start3A = arith.constant 0 : i32
        %dma_start3A_15 = tpu.memref_slice %arg6[%dma_start3A] : memref<10240xf32, #tpu.memory_space<vmem_shared>> -> memref<10240xf32, #tpu.memory_space<vmem_shared>>
        tpu.enqueue_indirect_dma source(%arg8 : memref<128xf32, #tpu.memory_space<vmem>>) target(%dma_start3A_15 : memref<10240xf32, #tpu.memory_space<vmem_shared>>) offsets(%arg7 : memref<128xi32, #tpu.memory_space<vmem>>) semaphore(%run_scoped3A : memref<!tpu.dma_semaphore, #tpu.memory_space<semaphore_mem>>) {add = true}
        %dma_wait3A = arith.constant 0 : i32
        %dma_wait3A_16 = tpu.memref_slice %arg6[%dma_wait3A] : memref<10240xf32, #tpu.memory_space<vmem_shared>> -> memref<10240xf32, #tpu.memory_space<vmem_shared>>
        tpu.wait_indirect_dma semaphore(%run_scoped3A : memref<!tpu.dma_semaphore, #tpu.memory_space<semaphore_mem>>) src(%arg8 : memref<128xf32, #tpu.memory_space<vmem>>) dst(%dma_wait3A_16 : memref<10240xf32, #tpu.memory_space<vmem_shared>>)
        tpu.yield
      }) : () -> ()
    }
    %scan3A_9 = arith.constant 80 : i32
    %barrier3A_10 = arith.constant 0 : index
    tpu.barrier barrier_id(%barrier3A_10)
    "tpu.region"() ({
      %run_scoped3A = tpu.sem_alloc : memref<!tpu.dma_semaphore, #tpu.memory_space<semaphore_mem>>
      %dma_start3A = tpu.memref_slice %arg5[%arg0, %mul3A_0] : memref<2x10240xf32, #tpu.memory_space<hbm>> -> memref<1x640xf32, #tpu.memory_space<hbm>>
      %dma_start3A_11 = tpu.memref_squeeze %dma_start3A : memref<1x640xf32, #tpu.memory_space<hbm>> -> memref<640xf32, #tpu.memory_space<hbm>>
      %dma_start3A_12 = tpu.memref_slice %arg6[%mul3A_0] : memref<10240xf32, #tpu.memory_space<vmem_shared>> -> memref<640xf32, #tpu.memory_space<vmem_shared>>
      tpu.enqueue_dma source(%dma_start3A_12 : memref<640xf32, #tpu.memory_space<vmem_shared>>) target(%dma_start3A_11 : memref<640xf32, #tpu.memory_space<hbm>>) target_semaphore(%run_scoped3A : memref<!tpu.dma_semaphore, #tpu.memory_space<semaphore_mem>>)
      %dma_wait3A = tpu.memref_slice %arg5[%arg0, %mul3A_0] : memref<2x10240xf32, #tpu.memory_space<hbm>> -> memref<1x640xf32, #tpu.memory_space<hbm>>
      %dma_wait3A_13 = tpu.memref_squeeze %dma_wait3A : memref<1x640xf32, #tpu.memory_space<hbm>> -> memref<640xf32, #tpu.memory_space<hbm>>
      %dma_wait3A_14 = tpu.memref_slice %arg6[%mul3A_0] : memref<10240xf32, #tpu.memory_space<vmem_shared>> -> memref<640xf32, #tpu.memory_space<vmem_shared>>
      tpu.wait_dma2 semaphore(%run_scoped3A : memref<!tpu.dma_semaphore, #tpu.memory_space<semaphore_mem>>) src(%dma_wait3A_14 : memref<640xf32, #tpu.memory_space<vmem_shared>>) dst(%dma_wait3A_13 : memref<640xf32, #tpu.memory_space<hbm>>)
      tpu.yield
    }) : () -> ()
    return
  }
}

#map = affine_map<(d0, d1) -> (0, 0)>
#map1 = affine_map<(d0, d1) -> (0)>
#map2 = affine_map<(d0, d1) -> (0, 0, 0)>
module attributes {stable_mosaic.version = 14 : i64} {
  func.func @k(%arg0: i32, %arg1: i32, %arg2: memref<10000x128xf32, #tpu.memory_space<hbm>>, %arg3: memref<327680xi32, #tpu.memory_space<hbm>>, %arg4: memref<327680xi32, #tpu.memory_space<hbm>>, %arg5: memref<64x128xf32, #tpu.memory_space<hbm>>, %arg6: memref<2x10240x128xf32, #tpu.memory_space<hbm>>, %arg7: memref<10240x128xf32, #tpu.memory_space<vmem_shared>>, %arg8: memref<128xi32, #tpu.memory_space<vmem>>, %arg9: memref<128xi32, #tpu.memory_space<vmem>>, %arg10: memref<128x128xf32, #tpu.memory_space<vmem>>, %arg11: memref<!tpu.dma_semaphore, #tpu.memory_space<semaphore_mem>>) attributes {dimension_semantics = [#tpu.dimension_semantics<core_parallel>, #tpu.dimension_semantics<subcore_parallel>], iteration_bounds = array<i64: 2, 16>, scalar_prefetch = 0 : i64, scratch_operands = 5 : i64, tpu.core_type = #tpu.core_type<sc_vector_subcore>, window_params = [{transform_indices = #map}, {transform_indices = #map1}, {transform_indices = #map1}, {transform_indices = #map}, {transform_indices = #map2}]} {
    %mul3A = arith.constant 640 : i32
    %mul3A_0 = arith.muli %arg1, %mul3A : i32
    %add3A = arith.constant 0 : i32
    %add3A_1 = arith.addi %mul3A_0, %add3A : i32
    "tpu.region"() ({
      %run_scoped3A = tpu.sem_alloc : memref<!tpu.dma_semaphore, #tpu.memory_space<semaphore_mem>>
      %dma_start3A = arith.constant 0 : i32
      %dma_start3A_31 = tpu.memref_slice %arg7[%add3A_1, %dma_start3A] : memref<10240x128xf32, #tpu.memory_space<vmem_shared>> -> memref<64x128xf32, #tpu.memory_space<vmem_shared>>
      tpu.enqueue_dma source(%arg5 : memref<64x128xf32, #tpu.memory_space<hbm>>) target(%dma_start3A_31 : memref<64x128xf32, #tpu.memory_space<vmem_shared>>) target_semaphore(%run_scoped3A : memref<!tpu.dma_semaphore, #tpu.memory_space<semaphore_mem>>)
      %dma_wait3A = arith.constant 0 : i32
      %dma_wait3A_32 = tpu.memref_slice %arg7[%add3A_1, %dma_wait3A] : memref<10240x128xf32, #tpu.memory_space<vmem_shared>> -> memref<64x128xf32, #tpu.memory_space<vmem_shared>>
      tpu.wait_dma2 semaphore(%run_scoped3A : memref<!tpu.dma_semaphore, #tpu.memory_space<semaphore_mem>>) src(%arg5 : memref<64x128xf32, #tpu.memory_space<hbm>>) dst(%dma_wait3A_32 : memref<64x128xf32, #tpu.memory_space<vmem_shared>>)
      tpu.yield
    }) : () -> ()
    %add3A_2 = arith.constant 64 : i32
    %add3A_3 = arith.addi %mul3A_0, %add3A_2 : i32
    "tpu.region"() ({
      %run_scoped3A = tpu.sem_alloc : memref<!tpu.dma_semaphore, #tpu.memory_space<semaphore_mem>>
      %dma_start3A = arith.constant 0 : i32
      %dma_start3A_31 = tpu.memref_slice %arg7[%add3A_3, %dma_start3A] : memref<10240x128xf32, #tpu.memory_space<vmem_shared>> -> memref<64x128xf32, #tpu.memory_space<vmem_shared>>
      tpu.enqueue_dma source(%arg5 : memref<64x128xf32, #tpu.memory_space<hbm>>) target(%dma_start3A_31 : memref<64x128xf32, #tpu.memory_space<vmem_shared>>) target_semaphore(%run_scoped3A : memref<!tpu.dma_semaphore, #tpu.memory_space<semaphore_mem>>)
      %dma_wait3A = arith.constant 0 : i32
      %dma_wait3A_32 = tpu.memref_slice %arg7[%add3A_3, %dma_wait3A] : memref<10240x128xf32, #tpu.memory_space<vmem_shared>> -> memref<64x128xf32, #tpu.memory_space<vmem_shared>>
      tpu.wait_dma2 semaphore(%run_scoped3A : memref<!tpu.dma_semaphore, #tpu.memory_space<semaphore_mem>>) src(%arg5 : memref<64x128xf32, #tpu.memory_space<hbm>>) dst(%dma_wait3A_32 : memref<64x128xf32, #tpu.memory_space<vmem_shared>>)
      tpu.yield
    }) : () -> ()
    %add3A_4 = arith.constant 128 : i32
    %add3A_5 = arith.addi %mul3A_0, %add3A_4 : i32
    "tpu.region"() ({
      %run_scoped3A = tpu.sem_alloc : memref<!tpu.dma_semaphore, #tpu.memory_space<semaphore_mem>>
      %dma_start3A = arith.constant 0 : i32
      %dma_start3A_31 = tpu.memref_slice %arg7[%add3A_5, %dma_start3A] : memref<10240x128xf32, #tpu.memory_space<vmem_shared>> -> memref<64x128xf32, #tpu.memory_space<vmem_shared>>
      tpu.enqueue_dma source(%arg5 : memref<64x128xf32, #tpu.memory_space<hbm>>) target(%dma_start3A_31 : memref<64x128xf32, #tpu.memory_space<vmem_shared>>) target_semaphore(%run_scoped3A : memref<!tpu.dma_semaphore, #tpu.memory_space<semaphore_mem>>)
      %dma_wait3A = arith.constant 0 : i32
      %dma_wait3A_32 = tpu.memref_slice %arg7[%add3A_5, %dma_wait3A] : memref<10240x128xf32, #tpu.memory_space<vmem_shared>> -> memref<64x128xf32, #tpu.memory_space<vmem_shared>>
      tpu.wait_dma2 semaphore(%run_scoped3A : memref<!tpu.dma_semaphore, #tpu.memory_space<semaphore_mem>>) src(%arg5 : memref<64x128xf32, #tpu.memory_space<hbm>>) dst(%dma_wait3A_32 : memref<64x128xf32, #tpu.memory_space<vmem_shared>>)
      tpu.yield
    }) : () -> ()
    %add3A_6 = arith.constant 192 : i32
    %add3A_7 = arith.addi %mul3A_0, %add3A_6 : i32
    "tpu.region"() ({
      %run_scoped3A = tpu.sem_alloc : memref<!tpu.dma_semaphore, #tpu.memory_space<semaphore_mem>>
      %dma_start3A = arith.constant 0 : i32
      %dma_start3A_31 = tpu.memref_slice %arg7[%add3A_7, %dma_start3A] : memref<10240x128xf32, #tpu.memory_space<vmem_shared>> -> memref<64x128xf32, #tpu.memory_space<vmem_shared>>
      tpu.enqueue_dma source(%arg5 : memref<64x128xf32, #tpu.memory_space<hbm>>) target(%dma_start3A_31 : memref<64x128xf32, #tpu.memory_space<vmem_shared>>) target_semaphore(%run_scoped3A : memref<!tpu.dma_semaphore, #tpu.memory_space<semaphore_mem>>)
      %dma_wait3A = arith.constant 0 : i32
      %dma_wait3A_32 = tpu.memref_slice %arg7[%add3A_7, %dma_wait3A] : memref<10240x128xf32, #tpu.memory_space<vmem_shared>> -> memref<64x128xf32, #tpu.memory_space<vmem_shared>>
      tpu.wait_dma2 semaphore(%run_scoped3A : memref<!tpu.dma_semaphore, #tpu.memory_space<semaphore_mem>>) src(%arg5 : memref<64x128xf32, #tpu.memory_space<hbm>>) dst(%dma_wait3A_32 : memref<64x128xf32, #tpu.memory_space<vmem_shared>>)
      tpu.yield
    }) : () -> ()
    %add3A_8 = arith.constant 256 : i32
    %add3A_9 = arith.addi %mul3A_0, %add3A_8 : i32
    "tpu.region"() ({
      %run_scoped3A = tpu.sem_alloc : memref<!tpu.dma_semaphore, #tpu.memory_space<semaphore_mem>>
      %dma_start3A = arith.constant 0 : i32
      %dma_start3A_31 = tpu.memref_slice %arg7[%add3A_9, %dma_start3A] : memref<10240x128xf32, #tpu.memory_space<vmem_shared>> -> memref<64x128xf32, #tpu.memory_space<vmem_shared>>
      tpu.enqueue_dma source(%arg5 : memref<64x128xf32, #tpu.memory_space<hbm>>) target(%dma_start3A_31 : memref<64x128xf32, #tpu.memory_space<vmem_shared>>) target_semaphore(%run_scoped3A : memref<!tpu.dma_semaphore, #tpu.memory_space<semaphore_mem>>)
      %dma_wait3A = arith.constant 0 : i32
      %dma_wait3A_32 = tpu.memref_slice %arg7[%add3A_9, %dma_wait3A] : memref<10240x128xf32, #tpu.memory_space<vmem_shared>> -> memref<64x128xf32, #tpu.memory_space<vmem_shared>>
      tpu.wait_dma2 semaphore(%run_scoped3A : memref<!tpu.dma_semaphore, #tpu.memory_space<semaphore_mem>>) src(%arg5 : memref<64x128xf32, #tpu.memory_space<hbm>>) dst(%dma_wait3A_32 : memref<64x128xf32, #tpu.memory_space<vmem_shared>>)
      tpu.yield
    }) : () -> ()
    %add3A_10 = arith.constant 320 : i32
    %add3A_11 = arith.addi %mul3A_0, %add3A_10 : i32
    "tpu.region"() ({
      %run_scoped3A = tpu.sem_alloc : memref<!tpu.dma_semaphore, #tpu.memory_space<semaphore_mem>>
      %dma_start3A = arith.constant 0 : i32
      %dma_start3A_31 = tpu.memref_slice %arg7[%add3A_11, %dma_start3A] : memref<10240x128xf32, #tpu.memory_space<vmem_shared>> -> memref<64x128xf32, #tpu.memory_space<vmem_shared>>
      tpu.enqueue_dma source(%arg5 : memref<64x128xf32, #tpu.memory_space<hbm>>) target(%dma_start3A_31 : memref<64x128xf32, #tpu.memory_space<vmem_shared>>) target_semaphore(%run_scoped3A : memref<!tpu.dma_semaphore, #tpu.memory_space<semaphore_mem>>)
      %dma_wait3A = arith.constant 0 : i32
      %dma_wait3A_32 = tpu.memref_slice %arg7[%add3A_11, %dma_wait3A] : memref<10240x128xf32, #tpu.memory_space<vmem_shared>> -> memref<64x128xf32, #tpu.memory_space<vmem_shared>>
      tpu.wait_dma2 semaphore(%run_scoped3A : memref<!tpu.dma_semaphore, #tpu.memory_space<semaphore_mem>>) src(%arg5 : memref<64x128xf32, #tpu.memory_space<hbm>>) dst(%dma_wait3A_32 : memref<64x128xf32, #tpu.memory_space<vmem_shared>>)
      tpu.yield
    }) : () -> ()
    %add3A_12 = arith.constant 384 : i32
    %add3A_13 = arith.addi %mul3A_0, %add3A_12 : i32
    "tpu.region"() ({
      %run_scoped3A = tpu.sem_alloc : memref<!tpu.dma_semaphore, #tpu.memory_space<semaphore_mem>>
      %dma_start3A = arith.constant 0 : i32
      %dma_start3A_31 = tpu.memref_slice %arg7[%add3A_13, %dma_start3A] : memref<10240x128xf32, #tpu.memory_space<vmem_shared>> -> memref<64x128xf32, #tpu.memory_space<vmem_shared>>
      tpu.enqueue_dma source(%arg5 : memref<64x128xf32, #tpu.memory_space<hbm>>) target(%dma_start3A_31 : memref<64x128xf32, #tpu.memory_space<vmem_shared>>) target_semaphore(%run_scoped3A : memref<!tpu.dma_semaphore, #tpu.memory_space<semaphore_mem>>)
      %dma_wait3A = arith.constant 0 : i32
      %dma_wait3A_32 = tpu.memref_slice %arg7[%add3A_13, %dma_wait3A] : memref<10240x128xf32, #tpu.memory_space<vmem_shared>> -> memref<64x128xf32, #tpu.memory_space<vmem_shared>>
      tpu.wait_dma2 semaphore(%run_scoped3A : memref<!tpu.dma_semaphore, #tpu.memory_space<semaphore_mem>>) src(%arg5 : memref<64x128xf32, #tpu.memory_space<hbm>>) dst(%dma_wait3A_32 : memref<64x128xf32, #tpu.memory_space<vmem_shared>>)
      tpu.yield
    }) : () -> ()
    %add3A_14 = arith.constant 448 : i32
    %add3A_15 = arith.addi %mul3A_0, %add3A_14 : i32
    "tpu.region"() ({
      %run_scoped3A = tpu.sem_alloc : memref<!tpu.dma_semaphore, #tpu.memory_space<semaphore_mem>>
      %dma_start3A = arith.constant 0 : i32
      %dma_start3A_31 = tpu.memref_slice %arg7[%add3A_15, %dma_start3A] : memref<10240x128xf32, #tpu.memory_space<vmem_shared>> -> memref<64x128xf32, #tpu.memory_space<vmem_shared>>
      tpu.enqueue_dma source(%arg5 : memref<64x128xf32, #tpu.memory_space<hbm>>) target(%dma_start3A_31 : memref<64x128xf32, #tpu.memory_space<vmem_shared>>) target_semaphore(%run_scoped3A : memref<!tpu.dma_semaphore, #tpu.memory_space<semaphore_mem>>)
      %dma_wait3A = arith.constant 0 : i32
      %dma_wait3A_32 = tpu.memref_slice %arg7[%add3A_15, %dma_wait3A] : memref<10240x128xf32, #tpu.memory_space<vmem_shared>> -> memref<64x128xf32, #tpu.memory_space<vmem_shared>>
      tpu.wait_dma2 semaphore(%run_scoped3A : memref<!tpu.dma_semaphore, #tpu.memory_space<semaphore_mem>>) src(%arg5 : memref<64x128xf32, #tpu.memory_space<hbm>>) dst(%dma_wait3A_32 : memref<64x128xf32, #tpu.memory_space<vmem_shared>>)
      tpu.yield
    }) : () -> ()
    %add3A_16 = arith.constant 512 : i32
    %add3A_17 = arith.addi %mul3A_0, %add3A_16 : i32
    "tpu.region"() ({
      %run_scoped3A = tpu.sem_alloc : memref<!tpu.dma_semaphore, #tpu.memory_space<semaphore_mem>>
      %dma_start3A = arith.constant 0 : i32
      %dma_start3A_31 = tpu.memref_slice %arg7[%add3A_17, %dma_start3A] : memref<10240x128xf32, #tpu.memory_space<vmem_shared>> -> memref<64x128xf32, #tpu.memory_space<vmem_shared>>
      tpu.enqueue_dma source(%arg5 : memref<64x128xf32, #tpu.memory_space<hbm>>) target(%dma_start3A_31 : memref<64x128xf32, #tpu.memory_space<vmem_shared>>) target_semaphore(%run_scoped3A : memref<!tpu.dma_semaphore, #tpu.memory_space<semaphore_mem>>)
      %dma_wait3A = arith.constant 0 : i32
      %dma_wait3A_32 = tpu.memref_slice %arg7[%add3A_17, %dma_wait3A] : memref<10240x128xf32, #tpu.memory_space<vmem_shared>> -> memref<64x128xf32, #tpu.memory_space<vmem_shared>>
      tpu.wait_dma2 semaphore(%run_scoped3A : memref<!tpu.dma_semaphore, #tpu.memory_space<semaphore_mem>>) src(%arg5 : memref<64x128xf32, #tpu.memory_space<hbm>>) dst(%dma_wait3A_32 : memref<64x128xf32, #tpu.memory_space<vmem_shared>>)
      tpu.yield
    }) : () -> ()
    %add3A_18 = arith.constant 576 : i32
    %add3A_19 = arith.addi %mul3A_0, %add3A_18 : i32
    "tpu.region"() ({
      %run_scoped3A = tpu.sem_alloc : memref<!tpu.dma_semaphore, #tpu.memory_space<semaphore_mem>>
      %dma_start3A = arith.constant 0 : i32
      %dma_start3A_31 = tpu.memref_slice %arg7[%add3A_19, %dma_start3A] : memref<10240x128xf32, #tpu.memory_space<vmem_shared>> -> memref<64x128xf32, #tpu.memory_space<vmem_shared>>
      tpu.enqueue_dma source(%arg5 : memref<64x128xf32, #tpu.memory_space<hbm>>) target(%dma_start3A_31 : memref<64x128xf32, #tpu.memory_space<vmem_shared>>) target_semaphore(%run_scoped3A : memref<!tpu.dma_semaphore, #tpu.memory_space<semaphore_mem>>)
      %dma_wait3A = arith.constant 0 : i32
      %dma_wait3A_32 = tpu.memref_slice %arg7[%add3A_19, %dma_wait3A] : memref<10240x128xf32, #tpu.memory_space<vmem_shared>> -> memref<64x128xf32, #tpu.memory_space<vmem_shared>>
      tpu.wait_dma2 semaphore(%run_scoped3A : memref<!tpu.dma_semaphore, #tpu.memory_space<semaphore_mem>>) src(%arg5 : memref<64x128xf32, #tpu.memory_space<hbm>>) dst(%dma_wait3A_32 : memref<64x128xf32, #tpu.memory_space<vmem_shared>>)
      tpu.yield
    }) : () -> ()
    %barrier3A = arith.constant 0 : index
    tpu.barrier barrier_id(%barrier3A)
    %mul3A_20 = arith.constant 2 : i32
    %mul3A_21 = arith.muli %arg1, %mul3A_20 : i32
    %add3A_22 = arith.addi %mul3A_21, %arg0 : i32
    %mul3A_23 = arith.constant 10240 : i32
    %mul3A_24 = arith.muli %add3A_22, %mul3A_23 : i32
    %scan3A = arith.constant 0 : i32
    %scan3A_25 = arith.constant 0 : i32
    %scan3A_26 = arith.constant 80 : i32
    %scan3A_27 = arith.addi %scan3A_25, %scan3A_26 : i32
    %scan3A_28 = arith.constant 1 : i32
    scf.for %scan3A_31 = %scan3A_25 to %scan3A_27 step %scan3A_28  : i32 {
      %mul3A_32 = arith.constant 128 : i32
      %mul3A_33 = arith.muli %scan3A_31, %mul3A_32 : i32
      %add3A_34 = arith.addi %mul3A_24, %mul3A_33 : i32
      "tpu.region"() ({
        %run_scoped3A = tpu.sem_alloc : memref<!tpu.dma_semaphore, #tpu.memory_space<semaphore_mem>>
        %dma_start3A_39 = tpu.memref_slice %arg3[%add3A_34] : memref<327680xi32, #tpu.memory_space<hbm>> -> memref<128xi32, #tpu.memory_space<hbm>>
        %dma_start3A_40 = tpu.memref_slice %arg3[%add3A_34] : memref<327680xi32, #tpu.memory_space<hbm>> -> memref<128xi32, #tpu.memory_space<hbm>>
        tpu.enqueue_dma source(%dma_start3A_40 : memref<128xi32, #tpu.memory_space<hbm>>) target(%arg8 : memref<128xi32, #tpu.memory_space<vmem>>) target_semaphore(%run_scoped3A : memref<!tpu.dma_semaphore, #tpu.memory_space<semaphore_mem>>)
        %dma_wait3A_41 = tpu.memref_slice %arg3[%add3A_34] : memref<327680xi32, #tpu.memory_space<hbm>> -> memref<128xi32, #tpu.memory_space<hbm>>
        %dma_wait3A_42 = tpu.memref_slice %arg3[%add3A_34] : memref<327680xi32, #tpu.memory_space<hbm>> -> memref<128xi32, #tpu.memory_space<hbm>>
        tpu.wait_dma2 semaphore(%run_scoped3A : memref<!tpu.dma_semaphore, #tpu.memory_space<semaphore_mem>>) src(%dma_wait3A_42 : memref<128xi32, #tpu.memory_space<hbm>>) dst(%arg8 : memref<128xi32, #tpu.memory_space<vmem>>)
        tpu.yield
      }) : () -> ()
      "tpu.region"() ({
        %run_scoped3A = tpu.sem_alloc : memref<!tpu.dma_semaphore, #tpu.memory_space<semaphore_mem>>
        %dma_start3A_39 = tpu.memref_slice %arg4[%add3A_34] : memref<327680xi32, #tpu.memory_space<hbm>> -> memref<128xi32, #tpu.memory_space<hbm>>
        %dma_start3A_40 = tpu.memref_slice %arg4[%add3A_34] : memref<327680xi32, #tpu.memory_space<hbm>> -> memref<128xi32, #tpu.memory_space<hbm>>
        tpu.enqueue_dma source(%dma_start3A_40 : memref<128xi32, #tpu.memory_space<hbm>>) target(%arg9 : memref<128xi32, #tpu.memory_space<vmem>>) target_semaphore(%run_scoped3A : memref<!tpu.dma_semaphore, #tpu.memory_space<semaphore_mem>>)
        %dma_wait3A_41 = tpu.memref_slice %arg4[%add3A_34] : memref<327680xi32, #tpu.memory_space<hbm>> -> memref<128xi32, #tpu.memory_space<hbm>>
        %dma_wait3A_42 = tpu.memref_slice %arg4[%add3A_34] : memref<327680xi32, #tpu.memory_space<hbm>> -> memref<128xi32, #tpu.memory_space<hbm>>
        tpu.wait_dma2 semaphore(%run_scoped3A : memref<!tpu.dma_semaphore, #tpu.memory_space<semaphore_mem>>) src(%dma_wait3A_42 : memref<128xi32, #tpu.memory_space<hbm>>) dst(%arg9 : memref<128xi32, #tpu.memory_space<vmem>>)
        tpu.yield
      }) : () -> ()
      %dma_start3A = arith.constant 0 : i32
      %dma_start3A_35 = arith.constant 0 : i32
      %dma_start3A_36 = tpu.memref_slice %arg2[%dma_start3A, %dma_start3A_35] : memref<10000x128xf32, #tpu.memory_space<hbm>> -> memref<10000x128xf32, #tpu.memory_space<hbm>>
      tpu.enqueue_indirect_dma source(%dma_start3A_36 : memref<10000x128xf32, #tpu.memory_space<hbm>>) target(%arg10 : memref<128x128xf32, #tpu.memory_space<vmem>>) offsets(%arg8 : memref<128xi32, #tpu.memory_space<vmem>>) semaphore(%arg11 : memref<!tpu.dma_semaphore, #tpu.memory_space<semaphore_mem>>)
      %dma_wait3A = arith.constant 0 : i32
      %dma_wait3A_37 = arith.constant 0 : i32
      %dma_wait3A_38 = tpu.memref_slice %arg2[%dma_wait3A, %dma_wait3A_37] : memref<10000x128xf32, #tpu.memory_space<hbm>> -> memref<10000x128xf32, #tpu.memory_space<hbm>>
      tpu.wait_indirect_dma semaphore(%arg11 : memref<!tpu.dma_semaphore, #tpu.memory_space<semaphore_mem>>) src(%dma_wait3A_38 : memref<10000x128xf32, #tpu.memory_space<hbm>>) dst(%arg10 : memref<128x128xf32, #tpu.memory_space<vmem>>)
      "tpu.region"() ({
        %run_scoped3A = tpu.sem_alloc : memref<!tpu.dma_semaphore, #tpu.memory_space<semaphore_mem>>
        %dma_start3A_39 = arith.constant 0 : i32
        %dma_start3A_40 = arith.constant 0 : i32
        %dma_start3A_41 = tpu.memref_slice %arg7[%dma_start3A_39, %dma_start3A_40] : memref<10240x128xf32, #tpu.memory_space<vmem_shared>> -> memref<10240x128xf32, #tpu.memory_space<vmem_shared>>
        tpu.enqueue_indirect_dma source(%arg10 : memref<128x128xf32, #tpu.memory_space<vmem>>) target(%dma_start3A_41 : memref<10240x128xf32, #tpu.memory_space<vmem_shared>>) offsets(%arg9 : memref<128xi32, #tpu.memory_space<vmem>>) semaphore(%run_scoped3A : memref<!tpu.dma_semaphore, #tpu.memory_space<semaphore_mem>>) {add = true}
        %dma_wait3A_42 = arith.constant 0 : i32
        %dma_wait3A_43 = arith.constant 0 : i32
        %dma_wait3A_44 = tpu.memref_slice %arg7[%dma_wait3A_42, %dma_wait3A_43] : memref<10240x128xf32, #tpu.memory_space<vmem_shared>> -> memref<10240x128xf32, #tpu.memory_space<vmem_shared>>
        tpu.wait_indirect_dma semaphore(%run_scoped3A : memref<!tpu.dma_semaphore, #tpu.memory_space<semaphore_mem>>) src(%arg10 : memref<128x128xf32, #tpu.memory_space<vmem>>) dst(%dma_wait3A_44 : memref<10240x128xf32, #tpu.memory_space<vmem_shared>>)
        tpu.yield
      }) : () -> ()
    }
    %scan3A_29 = arith.constant 80 : i32
    %barrier3A_30 = arith.constant 0 : index
    tpu.barrier barrier_id(%barrier3A_30)
    "tpu.region"() ({
      %run_scoped3A = tpu.sem_alloc : memref<!tpu.dma_semaphore, #tpu.memory_space<semaphore_mem>>
      %dma_start3A = arith.constant 0 : i32
      %dma_start3A_31 = tpu.memref_slice %arg6[%arg0, %mul3A_0, %dma_start3A] : memref<2x10240x128xf32, #tpu.memory_space<hbm>> -> memref<1x640x128xf32, #tpu.memory_space<hbm>>
      %dma_start3A_32 = tpu.memref_squeeze %dma_start3A_31 : memref<1x640x128xf32, #tpu.memory_space<hbm>> -> memref<640x128xf32, #tpu.memory_space<hbm>>
      %dma_start3A_33 = arith.constant 0 : i32
      %dma_start3A_34 = tpu.memref_slice %arg7[%mul3A_0, %dma_start3A_33] : memref<10240x128xf32, #tpu.memory_space<vmem_shared>> -> memref<640x128xf32, #tpu.memory_space<vmem_shared>>
      tpu.enqueue_dma source(%dma_start3A_34 : memref<640x128xf32, #tpu.memory_space<vmem_shared>>) target(%dma_start3A_32 : memref<640x128xf32, #tpu.memory_space<hbm>>) target_semaphore(%run_scoped3A : memref<!tpu.dma_semaphore, #tpu.memory_space<semaphore_mem>>)
      %dma_wait3A = arith.constant 0 : i32
      %dma_wait3A_35 = tpu.memref_slice %arg6[%arg0, %mul3A_0, %dma_wait3A] : memref<2x10240x128xf32, #tpu.memory_space<hbm>> -> memref<1x640x128xf32, #tpu.memory_space<hbm>>
      %dma_wait3A_36 = tpu.memref_squeeze %dma_wait3A_35 : memref<1x640x128xf32, #tpu.memory_space<hbm>> -> memref<640x128xf32, #tpu.memory_space<hbm>>
      %dma_wait3A_37 = arith.constant 0 : i32
      %dma_wait3A_38 = tpu.memref_slice %arg7[%mul3A_0, %dma_wait3A_37] : memref<10240x128xf32, #tpu.memory_space<vmem_shared>> -> memref<640x128xf32, #tpu.memory_space<vmem_shared>>
      tpu.wait_dma2 semaphore(%run_scoped3A : memref<!tpu.dma_semaphore, #tpu.memory_space<semaphore_mem>>) src(%dma_wait3A_38 : memref<640x128xf32, #tpu.memory_space<vmem_shared>>) dst(%dma_wait3A_36 : memref<640x128xf32, #tpu.memory_space<hbm>>)
      tpu.yield
    }) : () -> ()
    return
  }
}

#map = affine_map<(d0, d1) -> (0, 0)>
#map1 = affine_map<(d0, d1) -> (0)>
#map2 = affine_map<(d0, d1) -> (0, 0, 0)>
module attributes {stable_mosaic.version = 14 : i64} {
  func.func @k(%arg0: i32, %arg1: i32, %arg2: memref<10000x128xf32, #tpu.memory_space<hbm>>, %arg3: memref<327680xi32, #tpu.memory_space<hbm>>, %arg4: memref<327680xi32, #tpu.memory_space<hbm>>, %arg5: memref<64x128xf32, #tpu.memory_space<hbm>>, %arg6: memref<2x10240x128xf32, #tpu.memory_space<hbm>>, %arg7: memref<10240x128xf32, #tpu.memory_space<vmem_shared>>, %arg8: memref<128xi32, #tpu.memory_space<vmem>>, %arg9: memref<128xi32, #tpu.memory_space<vmem>>, %arg10: memref<128x128xf32, #tpu.memory_space<vmem>>, %arg11: memref<!tpu.dma_semaphore, #tpu.memory_space<semaphore_mem>>) attributes {dimension_semantics = [#tpu.dimension_semantics<core_parallel>, #tpu.dimension_semantics<subcore_parallel>], iteration_bounds = array<i64: 2, 16>, scalar_prefetch = 0 : i64, scratch_operands = 5 : i64, tpu.core_type = #tpu.core_type<sc_vector_subcore>, window_params = [{transform_indices = #map}, {transform_indices = #map1}, {transform_indices = #map1}, {transform_indices = #map}, {transform_indices = #map2}]} {
    %mul3A = arith.constant 640 : i32
    %mul3A_0 = arith.muli %arg1, %mul3A : i32
    %add3A = arith.constant 0 : i32
    %add3A_1 = arith.addi %mul3A_0, %add3A : i32
    "tpu.region"() ({
      %run_scoped3A = tpu.sem_alloc : memref<!tpu.dma_semaphore, #tpu.memory_space<semaphore_mem>>
      %dma_start3A = arith.constant 0 : i32
      %dma_start3A_31 = tpu.memref_slice %arg7[%add3A_1, %dma_start3A] : memref<10240x128xf32, #tpu.memory_space<vmem_shared>> -> memref<64x128xf32, #tpu.memory_space<vmem_shared>>
      tpu.enqueue_dma source(%arg5 : memref<64x128xf32, #tpu.memory_space<hbm>>) target(%dma_start3A_31 : memref<64x128xf32, #tpu.memory_space<vmem_shared>>) target_semaphore(%run_scoped3A : memref<!tpu.dma_semaphore, #tpu.memory_space<semaphore_mem>>)
      %dma_wait3A = arith.constant 0 : i32
      %dma_wait3A_32 = tpu.memref_slice %arg7[%add3A_1, %dma_wait3A] : memref<10240x128xf32, #tpu.memory_space<vmem_shared>> -> memref<64x128xf32, #tpu.memory_space<vmem_shared>>
      tpu.wait_dma2 semaphore(%run_scoped3A : memref<!tpu.dma_semaphore, #tpu.memory_space<semaphore_mem>>) src(%arg5 : memref<64x128xf32, #tpu.memory_space<hbm>>) dst(%dma_wait3A_32 : memref<64x128xf32, #tpu.memory_space<vmem_shared>>)
      tpu.yield
    }) : () -> ()
    %add3A_2 = arith.constant 64 : i32
    %add3A_3 = arith.addi %mul3A_0, %add3A_2 : i32
    "tpu.region"() ({
      %run_scoped3A = tpu.sem_alloc : memref<!tpu.dma_semaphore, #tpu.memory_space<semaphore_mem>>
      %dma_start3A = arith.constant 0 : i32
      %dma_start3A_31 = tpu.memref_slice %arg7[%add3A_3, %dma_start3A] : memref<10240x128xf32, #tpu.memory_space<vmem_shared>> -> memref<64x128xf32, #tpu.memory_space<vmem_shared>>
      tpu.enqueue_dma source(%arg5 : memref<64x128xf32, #tpu.memory_space<hbm>>) target(%dma_start3A_31 : memref<64x128xf32, #tpu.memory_space<vmem_shared>>) target_semaphore(%run_scoped3A : memref<!tpu.dma_semaphore, #tpu.memory_space<semaphore_mem>>)
      %dma_wait3A = arith.constant 0 : i32
      %dma_wait3A_32 = tpu.memref_slice %arg7[%add3A_3, %dma_wait3A] : memref<10240x128xf32, #tpu.memory_space<vmem_shared>> -> memref<64x128xf32, #tpu.memory_space<vmem_shared>>
      tpu.wait_dma2 semaphore(%run_scoped3A : memref<!tpu.dma_semaphore, #tpu.memory_space<semaphore_mem>>) src(%arg5 : memref<64x128xf32, #tpu.memory_space<hbm>>) dst(%dma_wait3A_32 : memref<64x128xf32, #tpu.memory_space<vmem_shared>>)
      tpu.yield
    }) : () -> ()
    %add3A_4 = arith.constant 128 : i32
    %add3A_5 = arith.addi %mul3A_0, %add3A_4 : i32
    "tpu.region"() ({
      %run_scoped3A = tpu.sem_alloc : memref<!tpu.dma_semaphore, #tpu.memory_space<semaphore_mem>>
      %dma_start3A = arith.constant 0 : i32
      %dma_start3A_31 = tpu.memref_slice %arg7[%add3A_5, %dma_start3A] : memref<10240x128xf32, #tpu.memory_space<vmem_shared>> -> memref<64x128xf32, #tpu.memory_space<vmem_shared>>
      tpu.enqueue_dma source(%arg5 : memref<64x128xf32, #tpu.memory_space<hbm>>) target(%dma_start3A_31 : memref<64x128xf32, #tpu.memory_space<vmem_shared>>) target_semaphore(%run_scoped3A : memref<!tpu.dma_semaphore, #tpu.memory_space<semaphore_mem>>)
      %dma_wait3A = arith.constant 0 : i32
      %dma_wait3A_32 = tpu.memref_slice %arg7[%add3A_5, %dma_wait3A] : memref<10240x128xf32, #tpu.memory_space<vmem_shared>> -> memref<64x128xf32, #tpu.memory_space<vmem_shared>>
      tpu.wait_dma2 semaphore(%run_scoped3A : memref<!tpu.dma_semaphore, #tpu.memory_space<semaphore_mem>>) src(%arg5 : memref<64x128xf32, #tpu.memory_space<hbm>>) dst(%dma_wait3A_32 : memref<64x128xf32, #tpu.memory_space<vmem_shared>>)
      tpu.yield
    }) : () -> ()
    %add3A_6 = arith.constant 192 : i32
    %add3A_7 = arith.addi %mul3A_0, %add3A_6 : i32
    "tpu.region"() ({
      %run_scoped3A = tpu.sem_alloc : memref<!tpu.dma_semaphore, #tpu.memory_space<semaphore_mem>>
      %dma_start3A = arith.constant 0 : i32
      %dma_start3A_31 = tpu.memref_slice %arg7[%add3A_7, %dma_start3A] : memref<10240x128xf32, #tpu.memory_space<vmem_shared>> -> memref<64x128xf32, #tpu.memory_space<vmem_shared>>
      tpu.enqueue_dma source(%arg5 : memref<64x128xf32, #tpu.memory_space<hbm>>) target(%dma_start3A_31 : memref<64x128xf32, #tpu.memory_space<vmem_shared>>) target_semaphore(%run_scoped3A : memref<!tpu.dma_semaphore, #tpu.memory_space<semaphore_mem>>)
      %dma_wait3A = arith.constant 0 : i32
      %dma_wait3A_32 = tpu.memref_slice %arg7[%add3A_7, %dma_wait3A] : memref<10240x128xf32, #tpu.memory_space<vmem_shared>> -> memref<64x128xf32, #tpu.memory_space<vmem_shared>>
      tpu.wait_dma2 semaphore(%run_scoped3A : memref<!tpu.dma_semaphore, #tpu.memory_space<semaphore_mem>>) src(%arg5 : memref<64x128xf32, #tpu.memory_space<hbm>>) dst(%dma_wait3A_32 : memref<64x128xf32, #tpu.memory_space<vmem_shared>>)
      tpu.yield
    }) : () -> ()
    %add3A_8 = arith.constant 256 : i32
    %add3A_9 = arith.addi %mul3A_0, %add3A_8 : i32
    "tpu.region"() ({
      %run_scoped3A = tpu.sem_alloc : memref<!tpu.dma_semaphore, #tpu.memory_space<semaphore_mem>>
      %dma_start3A = arith.constant 0 : i32
      %dma_start3A_31 = tpu.memref_slice %arg7[%add3A_9, %dma_start3A] : memref<10240x128xf32, #tpu.memory_space<vmem_shared>> -> memref<64x128xf32, #tpu.memory_space<vmem_shared>>
      tpu.enqueue_dma source(%arg5 : memref<64x128xf32, #tpu.memory_space<hbm>>) target(%dma_start3A_31 : memref<64x128xf32, #tpu.memory_space<vmem_shared>>) target_semaphore(%run_scoped3A : memref<!tpu.dma_semaphore, #tpu.memory_space<semaphore_mem>>)
      %dma_wait3A = arith.constant 0 : i32
      %dma_wait3A_32 = tpu.memref_slice %arg7[%add3A_9, %dma_wait3A] : memref<10240x128xf32, #tpu.memory_space<vmem_shared>> -> memref<64x128xf32, #tpu.memory_space<vmem_shared>>
      tpu.wait_dma2 semaphore(%run_scoped3A : memref<!tpu.dma_semaphore, #tpu.memory_space<semaphore_mem>>) src(%arg5 : memref<64x128xf32, #tpu.memory_space<hbm>>) dst(%dma_wait3A_32 : memref<64x128xf32, #tpu.memory_space<vmem_shared>>)
      tpu.yield
    }) : () -> ()
    %add3A_10 = arith.constant 320 : i32
    %add3A_11 = arith.addi %mul3A_0, %add3A_10 : i32
    "tpu.region"() ({
      %run_scoped3A = tpu.sem_alloc : memref<!tpu.dma_semaphore, #tpu.memory_space<semaphore_mem>>
      %dma_start3A = arith.constant 0 : i32
      %dma_start3A_31 = tpu.memref_slice %arg7[%add3A_11, %dma_start3A] : memref<10240x128xf32, #tpu.memory_space<vmem_shared>> -> memref<64x128xf32, #tpu.memory_space<vmem_shared>>
      tpu.enqueue_dma source(%arg5 : memref<64x128xf32, #tpu.memory_space<hbm>>) target(%dma_start3A_31 : memref<64x128xf32, #tpu.memory_space<vmem_shared>>) target_semaphore(%run_scoped3A : memref<!tpu.dma_semaphore, #tpu.memory_space<semaphore_mem>>)
      %dma_wait3A = arith.constant 0 : i32
      %dma_wait3A_32 = tpu.memref_slice %arg7[%add3A_11, %dma_wait3A] : memref<10240x128xf32, #tpu.memory_space<vmem_shared>> -> memref<64x128xf32, #tpu.memory_space<vmem_shared>>
      tpu.wait_dma2 semaphore(%run_scoped3A : memref<!tpu.dma_semaphore, #tpu.memory_space<semaphore_mem>>) src(%arg5 : memref<64x128xf32, #tpu.memory_space<hbm>>) dst(%dma_wait3A_32 : memref<64x128xf32, #tpu.memory_space<vmem_shared>>)
      tpu.yield
    }) : () -> ()
    %add3A_12 = arith.constant 384 : i32
    %add3A_13 = arith.addi %mul3A_0, %add3A_12 : i32
    "tpu.region"() ({
      %run_scoped3A = tpu.sem_alloc : memref<!tpu.dma_semaphore, #tpu.memory_space<semaphore_mem>>
      %dma_start3A = arith.constant 0 : i32
      %dma_start3A_31 = tpu.memref_slice %arg7[%add3A_13, %dma_start3A] : memref<10240x128xf32, #tpu.memory_space<vmem_shared>> -> memref<64x128xf32, #tpu.memory_space<vmem_shared>>
      tpu.enqueue_dma source(%arg5 : memref<64x128xf32, #tpu.memory_space<hbm>>) target(%dma_start3A_31 : memref<64x128xf32, #tpu.memory_space<vmem_shared>>) target_semaphore(%run_scoped3A : memref<!tpu.dma_semaphore, #tpu.memory_space<semaphore_mem>>)
      %dma_wait3A = arith.constant 0 : i32
      %dma_wait3A_32 = tpu.memref_slice %arg7[%add3A_13, %dma_wait3A] : memref<10240x128xf32, #tpu.memory_space<vmem_shared>> -> memref<64x128xf32, #tpu.memory_space<vmem_shared>>
      tpu.wait_dma2 semaphore(%run_scoped3A : memref<!tpu.dma_semaphore, #tpu.memory_space<semaphore_mem>>) src(%arg5 : memref<64x128xf32, #tpu.memory_space<hbm>>) dst(%dma_wait3A_32 : memref<64x128xf32, #tpu.memory_space<vmem_shared>>)
      tpu.yield
    }) : () -> ()
    %add3A_14 = arith.constant 448 : i32
    %add3A_15 = arith.addi %mul3A_0, %add3A_14 : i32
    "tpu.region"() ({
      %run_scoped3A = tpu.sem_alloc : memref<!tpu.dma_semaphore, #tpu.memory_space<semaphore_mem>>
      %dma_start3A = arith.constant 0 : i32
      %dma_start3A_31 = tpu.memref_slice %arg7[%add3A_15, %dma_start3A] : memref<10240x128xf32, #tpu.memory_space<vmem_shared>> -> memref<64x128xf32, #tpu.memory_space<vmem_shared>>
      tpu.enqueue_dma source(%arg5 : memref<64x128xf32, #tpu.memory_space<hbm>>) target(%dma_start3A_31 : memref<64x128xf32, #tpu.memory_space<vmem_shared>>) target_semaphore(%run_scoped3A : memref<!tpu.dma_semaphore, #tpu.memory_space<semaphore_mem>>)
      %dma_wait3A = arith.constant 0 : i32
      %dma_wait3A_32 = tpu.memref_slice %arg7[%add3A_15, %dma_wait3A] : memref<10240x128xf32, #tpu.memory_space<vmem_shared>> -> memref<64x128xf32, #tpu.memory_space<vmem_shared>>
      tpu.wait_dma2 semaphore(%run_scoped3A : memref<!tpu.dma_semaphore, #tpu.memory_space<semaphore_mem>>) src(%arg5 : memref<64x128xf32, #tpu.memory_space<hbm>>) dst(%dma_wait3A_32 : memref<64x128xf32, #tpu.memory_space<vmem_shared>>)
      tpu.yield
    }) : () -> ()
    %add3A_16 = arith.constant 512 : i32
    %add3A_17 = arith.addi %mul3A_0, %add3A_16 : i32
    "tpu.region"() ({
      %run_scoped3A = tpu.sem_alloc : memref<!tpu.dma_semaphore, #tpu.memory_space<semaphore_mem>>
      %dma_start3A = arith.constant 0 : i32
      %dma_start3A_31 = tpu.memref_slice %arg7[%add3A_17, %dma_start3A] : memref<10240x128xf32, #tpu.memory_space<vmem_shared>> -> memref<64x128xf32, #tpu.memory_space<vmem_shared>>
      tpu.enqueue_dma source(%arg5 : memref<64x128xf32, #tpu.memory_space<hbm>>) target(%dma_start3A_31 : memref<64x128xf32, #tpu.memory_space<vmem_shared>>) target_semaphore(%run_scoped3A : memref<!tpu.dma_semaphore, #tpu.memory_space<semaphore_mem>>)
      %dma_wait3A = arith.constant 0 : i32
      %dma_wait3A_32 = tpu.memref_slice %arg7[%add3A_17, %dma_wait3A] : memref<10240x128xf32, #tpu.memory_space<vmem_shared>> -> memref<64x128xf32, #tpu.memory_space<vmem_shared>>
      tpu.wait_dma2 semaphore(%run_scoped3A : memref<!tpu.dma_semaphore, #tpu.memory_space<semaphore_mem>>) src(%arg5 : memref<64x128xf32, #tpu.memory_space<hbm>>) dst(%dma_wait3A_32 : memref<64x128xf32, #tpu.memory_space<vmem_shared>>)
      tpu.yield
    }) : () -> ()
    %add3A_18 = arith.constant 576 : i32
    %add3A_19 = arith.addi %mul3A_0, %add3A_18 : i32
    "tpu.region"() ({
      %run_scoped3A = tpu.sem_alloc : memref<!tpu.dma_semaphore, #tpu.memory_space<semaphore_mem>>
      %dma_start3A = arith.constant 0 : i32
      %dma_start3A_31 = tpu.memref_slice %arg7[%add3A_19, %dma_start3A] : memref<10240x128xf32, #tpu.memory_space<vmem_shared>> -> memref<64x128xf32, #tpu.memory_space<vmem_shared>>
      tpu.enqueue_dma source(%arg5 : memref<64x128xf32, #tpu.memory_space<hbm>>) target(%dma_start3A_31 : memref<64x128xf32, #tpu.memory_space<vmem_shared>>) target_semaphore(%run_scoped3A : memref<!tpu.dma_semaphore, #tpu.memory_space<semaphore_mem>>)
      %dma_wait3A = arith.constant 0 : i32
      %dma_wait3A_32 = tpu.memref_slice %arg7[%add3A_19, %dma_wait3A] : memref<10240x128xf32, #tpu.memory_space<vmem_shared>> -> memref<64x128xf32, #tpu.memory_space<vmem_shared>>
      tpu.wait_dma2 semaphore(%run_scoped3A : memref<!tpu.dma_semaphore, #tpu.memory_space<semaphore_mem>>) src(%arg5 : memref<64x128xf32, #tpu.memory_space<hbm>>) dst(%dma_wait3A_32 : memref<64x128xf32, #tpu.memory_space<vmem_shared>>)
      tpu.yield
    }) : () -> ()
    %barrier3A = arith.constant 0 : index
    tpu.barrier barrier_id(%barrier3A)
    %mul3A_20 = arith.constant 2 : i32
    %mul3A_21 = arith.muli %arg1, %mul3A_20 : i32
    %add3A_22 = arith.addi %mul3A_21, %arg0 : i32
    %mul3A_23 = arith.constant 10240 : i32
    %mul3A_24 = arith.muli %add3A_22, %mul3A_23 : i32
    %scan3A = arith.constant 0 : i32
    %scan3A_25 = arith.constant 0 : i32
    %scan3A_26 = arith.constant 80 : i32
    %scan3A_27 = arith.addi %scan3A_25, %scan3A_26 : i32
    %scan3A_28 = arith.constant 1 : i32
    scf.for %scan3A_31 = %scan3A_25 to %scan3A_27 step %scan3A_28  : i32 {
      %mul3A_32 = arith.constant 128 : i32
      %mul3A_33 = arith.muli %scan3A_31, %mul3A_32 : i32
      %add3A_34 = arith.addi %mul3A_24, %mul3A_33 : i32
      "tpu.region"() ({
        %run_scoped3A = tpu.sem_alloc : memref<!tpu.dma_semaphore, #tpu.memory_space<semaphore_mem>>
        %dma_start3A_39 = tpu.memref_slice %arg3[%add3A_34] : memref<327680xi32, #tpu.memory_space<hbm>> -> memref<128xi32, #tpu.memory_space<hbm>>
        %dma_start3A_40 = tpu.memref_slice %arg3[%add3A_34] : memref<327680xi32, #tpu.memory_space<hbm>> -> memref<128xi32, #tpu.memory_space<hbm>>
        tpu.enqueue_dma source(%dma_start3A_40 : memref<128xi32, #tpu.memory_space<hbm>>) target(%arg8 : memref<128xi32, #tpu.memory_space<vmem>>) target_semaphore(%run_scoped3A : memref<!tpu.dma_semaphore, #tpu.memory_space<semaphore_mem>>)
        %dma_wait3A_41 = tpu.memref_slice %arg3[%add3A_34] : memref<327680xi32, #tpu.memory_space<hbm>> -> memref<128xi32, #tpu.memory_space<hbm>>
        %dma_wait3A_42 = tpu.memref_slice %arg3[%add3A_34] : memref<327680xi32, #tpu.memory_space<hbm>> -> memref<128xi32, #tpu.memory_space<hbm>>
        tpu.wait_dma2 semaphore(%run_scoped3A : memref<!tpu.dma_semaphore, #tpu.memory_space<semaphore_mem>>) src(%dma_wait3A_42 : memref<128xi32, #tpu.memory_space<hbm>>) dst(%arg8 : memref<128xi32, #tpu.memory_space<vmem>>)
        tpu.yield
      }) : () -> ()
      "tpu.region"() ({
        %run_scoped3A = tpu.sem_alloc : memref<!tpu.dma_semaphore, #tpu.memory_space<semaphore_mem>>
        %dma_start3A_39 = tpu.memref_slice %arg4[%add3A_34] : memref<327680xi32, #tpu.memory_space<hbm>> -> memref<128xi32, #tpu.memory_space<hbm>>
        %dma_start3A_40 = tpu.memref_slice %arg4[%add3A_34] : memref<327680xi32, #tpu.memory_space<hbm>> -> memref<128xi32, #tpu.memory_space<hbm>>
        tpu.enqueue_dma source(%dma_start3A_40 : memref<128xi32, #tpu.memory_space<hbm>>) target(%arg9 : memref<128xi32, #tpu.memory_space<vmem>>) target_semaphore(%run_scoped3A : memref<!tpu.dma_semaphore, #tpu.memory_space<semaphore_mem>>)
        %dma_wait3A_41 = tpu.memref_slice %arg4[%add3A_34] : memref<327680xi32, #tpu.memory_space<hbm>> -> memref<128xi32, #tpu.memory_space<hbm>>
        %dma_wait3A_42 = tpu.memref_slice %arg4[%add3A_34] : memref<327680xi32, #tpu.memory_space<hbm>> -> memref<128xi32, #tpu.memory_space<hbm>>
        tpu.wait_dma2 semaphore(%run_scoped3A : memref<!tpu.dma_semaphore, #tpu.memory_space<semaphore_mem>>) src(%dma_wait3A_42 : memref<128xi32, #tpu.memory_space<hbm>>) dst(%arg9 : memref<128xi32, #tpu.memory_space<vmem>>)
        tpu.yield
      }) : () -> ()
      %dma_start3A = arith.constant 0 : i32
      %dma_start3A_35 = arith.constant 0 : i32
      %dma_start3A_36 = tpu.memref_slice %arg2[%dma_start3A, %dma_start3A_35] : memref<10000x128xf32, #tpu.memory_space<hbm>> -> memref<10000x128xf32, #tpu.memory_space<hbm>>
      tpu.enqueue_indirect_dma source(%dma_start3A_36 : memref<10000x128xf32, #tpu.memory_space<hbm>>) target(%arg10 : memref<128x128xf32, #tpu.memory_space<vmem>>) offsets(%arg8 : memref<128xi32, #tpu.memory_space<vmem>>) semaphore(%arg11 : memref<!tpu.dma_semaphore, #tpu.memory_space<semaphore_mem>>)
      %dma_wait3A = arith.constant 0 : i32
      %dma_wait3A_37 = arith.constant 0 : i32
      %dma_wait3A_38 = tpu.memref_slice %arg2[%dma_wait3A, %dma_wait3A_37] : memref<10000x128xf32, #tpu.memory_space<hbm>> -> memref<10000x128xf32, #tpu.memory_space<hbm>>
      tpu.wait_indirect_dma semaphore(%arg11 : memref<!tpu.dma_semaphore, #tpu.memory_space<semaphore_mem>>) src(%dma_wait3A_38 : memref<10000x128xf32, #tpu.memory_space<hbm>>) dst(%arg10 : memref<128x128xf32, #tpu.memory_space<vmem>>)
      "tpu.region"() ({
        %run_scoped3A = tpu.sem_alloc : memref<!tpu.dma_semaphore, #tpu.memory_space<semaphore_mem>>
        %dma_start3A_39 = arith.constant 0 : i32
        %dma_start3A_40 = arith.constant 0 : i32
        %dma_start3A_41 = tpu.memref_slice %arg7[%dma_start3A_39, %dma_start3A_40] : memref<10240x128xf32, #tpu.memory_space<vmem_shared>> -> memref<10240x128xf32, #tpu.memory_space<vmem_shared>>
        tpu.enqueue_indirect_dma source(%arg10 : memref<128x128xf32, #tpu.memory_space<vmem>>) target(%dma_start3A_41 : memref<10240x128xf32, #tpu.memory_space<vmem_shared>>) offsets(%arg9 : memref<128xi32, #tpu.memory_space<vmem>>) semaphore(%run_scoped3A : memref<!tpu.dma_semaphore, #tpu.memory_space<semaphore_mem>>) {add = true}
        %dma_wait3A_42 = arith.constant 0 : i32
        %dma_wait3A_43 = arith.constant 0 : i32
        %dma_wait3A_44 = tpu.memref_slice %arg7[%dma_wait3A_42, %dma_wait3A_43] : memref<10240x128xf32, #tpu.memory_space<vmem_shared>> -> memref<10240x128xf32, #tpu.memory_space<vmem_shared>>
        tpu.wait_indirect_dma semaphore(%run_scoped3A : memref<!tpu.dma_semaphore, #tpu.memory_space<semaphore_mem>>) src(%arg10 : memref<128x128xf32, #tpu.memory_space<vmem>>) dst(%dma_wait3A_44 : memref<10240x128xf32, #tpu.memory_space<vmem_shared>>)
        tpu.yield
      }) : () -> ()
    }
    %scan3A_29 = arith.constant 80 : i32
    %barrier3A_30 = arith.constant 0 : index
    tpu.barrier barrier_id(%barrier3A_30)
    "tpu.region"() ({
      %run_scoped3A = tpu.sem_alloc : memref<!tpu.dma_semaphore, #tpu.memory_space<semaphore_mem>>
      %dma_start3A = arith.constant 0 : i32
      %dma_start3A_31 = tpu.memref_slice %arg6[%arg0, %mul3A_0, %dma_start3A] : memref<2x10240x128xf32, #tpu.memory_space<hbm>> -> memref<1x640x128xf32, #tpu.memory_space<hbm>>
      %dma_start3A_32 = tpu.memref_squeeze %dma_start3A_31 : memref<1x640x128xf32, #tpu.memory_space<hbm>> -> memref<640x128xf32, #tpu.memory_space<hbm>>
      %dma_start3A_33 = arith.constant 0 : i32
      %dma_start3A_34 = tpu.memref_slice %arg7[%mul3A_0, %dma_start3A_33] : memref<10240x128xf32, #tpu.memory_space<vmem_shared>> -> memref<640x128xf32, #tpu.memory_space<vmem_shared>>
      tpu.enqueue_dma source(%dma_start3A_34 : memref<640x128xf32, #tpu.memory_space<vmem_shared>>) target(%dma_start3A_32 : memref<640x128xf32, #tpu.memory_space<hbm>>) target_semaphore(%run_scoped3A : memref<!tpu.dma_semaphore, #tpu.memory_space<semaphore_mem>>)
      %dma_wait3A = arith.constant 0 : i32
      %dma_wait3A_35 = tpu.memref_slice %arg6[%arg0, %mul3A_0, %dma_wait3A] : memref<2x10240x128xf32, #tpu.memory_space<hbm>> -> memref<1x640x128xf32, #tpu.memory_space<hbm>>
      %dma_wait3A_36 = tpu.memref_squeeze %dma_wait3A_35 : memref<1x640x128xf32, #tpu.memory_space<hbm>> -> memref<640x128xf32, #tpu.memory_space<hbm>>
      %dma_wait3A_37 = arith.constant 0 : i32
      %dma_wait3A_38 = tpu.memref_slice %arg7[%mul3A_0, %dma_wait3A_37] : memref<10240x128xf32, #tpu.memory_space<vmem_shared>> -> memref<640x128xf32, #tpu.memory_space<vmem_shared>>
      tpu.wait_dma2 semaphore(%run_scoped3A : memref<!tpu.dma_semaphore, #tpu.memory_space<semaphore_mem>>) src(%dma_wait3A_38 : memref<640x128xf32, #tpu.memory_space<vmem_shared>>) dst(%dma_wait3A_36 : memref<640x128xf32, #tpu.memory_space<hbm>>)
      tpu.yield
    }) : () -> ()
    return
  }
}

module attributes {stable_mosaic.version = 14 : i64} {
  func.func @_mm1_body(%arg0: i32, %arg1: memref<1000x128xf32, #tpu.memory_space<vmem>>, %arg2: memref<128x128xf32, #tpu.memory_space<vmem>>, %arg3: memref<2x1x1x1000xf32, #tpu.memory_space<vmem>>, %arg4: memref<1000x128xf32, #tpu.memory_space<vmem>>) attributes {dimension_semantics = [#tpu.dimension_semantics<arbitrary>], iteration_bounds = array<i64: 10>, scalar_prefetch = 0 : i64, scratch_operands = 0 : i64, tpu.core_type = #tpu.core_type<tc>, window_params = [{transform_indices = @transform_0, window_bounds = array<i64: 1000, 128>}, {pipeline_mode = #tpu.pipeline_mode<synchronous>, transform_indices = @transform_1, window_bounds = array<i64: 128, 128>}, {transform_indices = @transform_2, window_bounds = array<i64: 2, 1, 1, 1000>}, {transform_indices = @transform_3, window_bounds = array<i64: 1000, 128>}]} {
    %get3A = arith.constant 0 : index
    %get3A_0 = arith.constant 0 : index
    %get3A_1 = vector.load %arg1[%get3A, %get3A_0] : memref<1000x128xf32, #tpu.memory_space<vmem>>, vector<1000x128xf32>
    %get3A_2 = arith.constant 0 : index
    %get3A_3 = arith.constant 0 : index
    %get3A_4 = vector.load %arg2[%get3A_2, %get3A_3] : memref<128x128xf32, #tpu.memory_space<vmem>>, vector<128x128xf32>
    %dot_general3A = arith.constant dense<0.000000e+00> : vector<1000x128xf32>
    %dot_general3A_5 = tpu.matmul %get3A_1, %get3A_4, %dot_general3A {dimension_numbers = #tpu.dot_dimension_numbers<[1], [0], [0], [1], [0, 0, 1, 1], [], []>, transpose_lhs_hint = false} : vector<1000x128xf32>, vector<128x128xf32>, vector<1000x128xf32> -> vector<1000x128xf32>
    %get3A_6 = arith.constant 0 : index
    %get3A_7 = arith.constant 0 : index
    %get3A_8 = arith.constant 0 : index
    %get3A_9 = arith.constant 0 : index
    %get3A_10 = vector.load %arg3[%get3A_6, %get3A_7, %get3A_8, %get3A_9] : memref<2x1x1x1000xf32, #tpu.memory_space<vmem>>, vector<1x1x1x1000xf32>
    %get3A_11 = vector.shape_cast %get3A_10 : vector<1x1x1x1000xf32> to vector<1000xf32>
    %get3A_12 = arith.constant 1 : index
    %get3A_13 = arith.constant 0 : index
    %get3A_14 = arith.constant 0 : index
    %get3A_15 = arith.constant 0 : index
    %get3A_16 = vector.load %arg3[%get3A_12, %get3A_13, %get3A_14, %get3A_15] : memref<2x1x1x1000xf32, #tpu.memory_space<vmem>>, vector<1x1x1x1000xf32>
    %get3A_17 = vector.shape_cast %get3A_16 : vector<1x1x1x1000xf32> to vector<1000xf32>
    %add3A = arith.addf %get3A_11, %get3A_17 : vector<1000xf32>
    %add3A_18 = arith.constant 1.000000e+00 : f32
    %add3A_19 = vector.broadcast %add3A_18 : f32 to vector<1000xf32>
    %add3A_20 = arith.addf %add3A, %add3A_19 : vector<1000xf32>
    %rsqrt3A = math.rsqrt %add3A_20 : vector<1000xf32>
    %broadcast_in_dim3A = vector.shape_cast %rsqrt3A : vector<1000xf32> to vector<1000x1xf32>
    %mul3A = vector.broadcast %broadcast_in_dim3A : vector<1000x1xf32> to vector<1000x128xf32>
    %mul3A_21 = arith.mulf %dot_general3A_5, %mul3A : vector<1000x128xf32>
    %swap3A = arith.constant 0 : index
    %swap3A_22 = arith.constant 0 : index
    %swap3A_23 = vector.load %arg4[%swap3A, %swap3A_22] : memref<1000x128xf32, #tpu.memory_space<vmem>>, vector<1000x128xf32>
    tpu.vector_store %arg4[%swap3A, %swap3A_22], %mul3A_21 {strides = array<i32>} : memref<1000x128xf32, #tpu.memory_space<vmem>>, vector<1000x128xf32>,
    return
  }
  func.func @transform_0(%arg0: i32) -> (i32, i32) {
    %c0_i32 = arith.constant 0 : i32
    %c0_i32_0 = arith.constant 0 : i32
    return %arg0, %c0_i32 : i32, i32
  }
  func.func @transform_1(%arg0: i32) -> (i32, i32) {
    %c0_i32 = arith.constant 0 : i32
    %c0_i32_0 = arith.constant 0 : i32
    %c0_i32_1 = arith.constant 0 : i32
    return %c0_i32, %c0_i32_0 : i32, i32
  }
  func.func @transform_2(%arg0: i32) -> (i32, i32, i32, i32) {
    %c0_i32 = arith.constant 0 : i32
    %c0_i32_0 = arith.constant 0 : i32
    %c0_i32_1 = arith.constant 0 : i32
    %c0_i32_2 = arith.constant 0 : i32
    return %c0_i32, %arg0, %c0_i32_0, %c0_i32_1 : i32, i32, i32, i32
  }
  func.func @transform_3(%arg0: i32) -> (i32, i32) {
    %c0_i32 = arith.constant 0 : i32
    %c0_i32_0 = arith.constant 0 : i32
    return %arg0, %c0_i32 : i32, i32
  }
}

module attributes {stable_mosaic.version = 14 : i64} {
  func.func @_layer_body(%arg0: i32, %arg1: memref<1000x128xf32, #tpu.memory_space<vmem>>, %arg2: memref<2x1000x128xf32, #tpu.memory_space<vmem>>, %arg3: memref<2x1x1x1000xf32, #tpu.memory_space<vmem>>, %arg4: memref<128xf32, #tpu.memory_space<vmem>>, %arg5: memref<128x128xf32, #tpu.memory_space<vmem>>, %arg6: memref<1000x128xf32, #tpu.memory_space<vmem>>) attributes {dimension_semantics = [#tpu.dimension_semantics<arbitrary>], iteration_bounds = array<i64: 10>, scalar_prefetch = 0 : i64, scratch_operands = 0 : i64, tpu.core_type = #tpu.core_type<tc>, window_params = [{transform_indices = @transform_0, window_bounds = array<i64: 1000, 128>}, {transform_indices = @transform_1, window_bounds = array<i64: 2, 1000, 128>}, {transform_indices = @transform_2, window_bounds = array<i64: 2, 1, 1, 1000>}, {pipeline_mode = #tpu.pipeline_mode<synchronous>, transform_indices = @transform_3, window_bounds = array<i64: 128>}, {pipeline_mode = #tpu.pipeline_mode<synchronous>, transform_indices = @transform_4, window_bounds = array<i64: 128, 128>}, {transform_indices = @transform_5, window_bounds = array<i64: 1000, 128>}]} {
    %get3A = arith.constant 0 : index
    %get3A_0 = arith.constant 0 : index
    %get3A_1 = arith.constant 0 : index
    %get3A_2 = arith.constant 0 : index
    %get3A_3 = vector.load %arg3[%get3A, %get3A_0, %get3A_1, %get3A_2] : memref<2x1x1x1000xf32, #tpu.memory_space<vmem>>, vector<1x1x1x1000xf32>
    %get3A_4 = vector.shape_cast %get3A_3 : vector<1x1x1x1000xf32> to vector<1000xf32>
    %get3A_5 = arith.constant 1 : index
    %get3A_6 = arith.constant 0 : index
    %get3A_7 = arith.constant 0 : index
    %get3A_8 = arith.constant 0 : index
    %get3A_9 = vector.load %arg3[%get3A_5, %get3A_6, %get3A_7, %get3A_8] : memref<2x1x1x1000xf32, #tpu.memory_space<vmem>>, vector<1x1x1x1000xf32>
    %get3A_10 = vector.shape_cast %get3A_9 : vector<1x1x1x1000xf32> to vector<1000xf32>
    %add3A = arith.addf %get3A_4, %get3A_10 : vector<1000xf32>
    %add3A_11 = arith.constant 1.000000e+00 : f32
    %add3A_12 = vector.broadcast %add3A_11 : f32 to vector<1000xf32>
    %add3A_13 = arith.addf %add3A, %add3A_12 : vector<1000xf32>
    %rsqrt3A = math.rsqrt %add3A_13 : vector<1000xf32>
    %broadcast_in_dim3A = vector.shape_cast %rsqrt3A : vector<1000xf32> to vector<1000x1xf32>
    %get3A_14 = arith.constant 0 : index
    %get3A_15 = arith.constant 0 : index
    %get3A_16 = arith.constant 0 : index
    %get3A_17 = vector.load %arg2[%get3A_14, %get3A_15, %get3A_16] : memref<2x1000x128xf32, #tpu.memory_space<vmem>>, vector<1x1000x128xf32>
    %get3A_18 = vector.shape_cast %get3A_17 : vector<1x1000x128xf32> to vector<1000x128xf32>
    %get3A_19 = arith.constant 1 : index
    %get3A_20 = arith.constant 0 : index
    %get3A_21 = arith.constant 0 : index
    %get3A_22 = vector.load %arg2[%get3A_19, %get3A_20, %get3A_21] : memref<2x1000x128xf32, #tpu.memory_space<vmem>>, vector<1x1000x128xf32>
    %get3A_23 = vector.shape_cast %get3A_22 : vector<1x1000x128xf32> to vector<1000x128xf32>
    %add3A_24 = arith.addf %get3A_18, %get3A_23 : vector<1000x128xf32>
    %get3A_25 = arith.constant 0 : index
    %get3A_26 = arith.constant 0 : index
    %get3A_27 = vector.load %arg1[%get3A_25, %get3A_26] : memref<1000x128xf32, #tpu.memory_space<vmem>>, vector<1000x128xf32>
    %add3A_28 = arith.addf %add3A_24, %get3A_27 : vector<1000x128xf32>
    %mul3A = vector.broadcast %broadcast_in_dim3A : vector<1000x1xf32> to vector<1000x128xf32>
    %mul3A_29 = arith.mulf %mul3A, %add3A_28 : vector<1000x128xf32>
    %get3A_30 = arith.constant 0 : index
    %get3A_31 = vector.load %arg4[%get3A_30] : memref<128xf32, #tpu.memory_space<vmem>>, vector<128xf32>
    %broadcast_in_dim3A_32 = vector.shape_cast %get3A_31 : vector<128xf32> to vector<1x128xf32>
    %add3A_33 = vector.broadcast %broadcast_in_dim3A_32 : vector<1x128xf32> to vector<1000x128xf32>
    %add3A_34 = arith.addf %mul3A_29, %add3A_33 : vector<1000x128xf32>
    %max3A = arith.constant 0.000000e+00 : f32
    %max3A_35 = vector.broadcast %max3A : f32 to vector<1000x128xf32>
    %max3A_36 = arith.maximumf %add3A_34, %max3A_35 : vector<1000x128xf32>
    %get3A_37 = arith.constant 0 : index
    %get3A_38 = arith.constant 0 : index
    %get3A_39 = vector.load %arg5[%get3A_37, %get3A_38] : memref<128x128xf32, #tpu.memory_space<vmem>>, vector<128x128xf32>
    %dot_general3A = arith.constant dense<0.000000e+00> : vector<1000x128xf32>
    %dot_general3A_40 = tpu.matmul %max3A_36, %get3A_39, %dot_general3A {dimension_numbers = #tpu.dot_dimension_numbers<[1], [0], [0], [1], [0, 0, 1, 1], [], []>, transpose_lhs_hint = false} : vector<1000x128xf32>, vector<128x128xf32>, vector<1000x128xf32> -> vector<1000x128xf32>
    %mul3A_41 = vector.broadcast %broadcast_in_dim3A : vector<1000x1xf32> to vector<1000x128xf32>
    %mul3A_42 = arith.mulf %dot_general3A_40, %mul3A_41 : vector<1000x128xf32>
    %swap3A = arith.constant 0 : index
    %swap3A_43 = arith.constant 0 : index
    %swap3A_44 = vector.load %arg6[%swap3A, %swap3A_43] : memref<1000x128xf32, #tpu.memory_space<vmem>>, vector<1000x128xf32>
    tpu.vector_store %arg6[%swap3A, %swap3A_43], %mul3A_42 {strides = array<i32>} : memref<1000x128xf32, #tpu.memory_space<vmem>>, vector<1000x128xf32>,
    return
  }
  func.func @transform_0(%arg0: i32) -> (i32, i32) {
    %c0_i32 = arith.constant 0 : i32
    %c0_i32_0 = arith.constant 0 : i32
    return %arg0, %c0_i32 : i32, i32
  }
  func.func @transform_1(%arg0: i32) -> (i32, i32, i32) {
    %c0_i32 = arith.constant 0 : i32
    %c0_i32_0 = arith.constant 0 : i32
    %c0_i32_1 = arith.constant 0 : i32
    return %c0_i32, %arg0, %c0_i32_0 : i32, i32, i32
  }
  func.func @transform_2(%arg0: i32) -> (i32, i32, i32, i32) {
    %c0_i32 = arith.constant 0 : i32
    %c0_i32_0 = arith.constant 0 : i32
    %c0_i32_1 = arith.constant 0 : i32
    %c0_i32_2 = arith.constant 0 : i32
    return %c0_i32, %arg0, %c0_i32_0, %c0_i32_1 : i32, i32, i32, i32
  }
  func.func @transform_3(%arg0: i32) -> i32 {
    %c0_i32 = arith.constant 0 : i32
    %c0_i32_0 = arith.constant 0 : i32
    return %c0_i32 : i32
  }
  func.func @transform_4(%arg0: i32) -> (i32, i32) {
    %c0_i32 = arith.constant 0 : i32
    %c0_i32_0 = arith.constant 0 : i32
    %c0_i32_1 = arith.constant 0 : i32
    return %c0_i32, %c0_i32_0 : i32, i32
  }
  func.func @transform_5(%arg0: i32) -> (i32, i32) {
    %c0_i32 = arith.constant 0 : i32
    %c0_i32_0 = arith.constant 0 : i32
    return %arg0, %c0_i32 : i32, i32
  }
}

module attributes {stable_mosaic.version = 14 : i64} {
  func.func @_final_body(%arg0: i32, %arg1: memref<10000x128xf32, #tpu.memory_space<vmem>>, %arg2: memref<2x10000x128xf32, #tpu.memory_space<vmem>>, %arg3: memref<2x10000xf32, #tpu.memory_space<vmem>>, %arg4: memref<32xf32, #tpu.memory_space<vmem>>, %arg5: memref<32x32xf32, #tpu.memory_space<vmem>>, %arg6: memref<32x16xf32, #tpu.memory_space<vmem>>, %arg7: memref<16xf32, #tpu.memory_space<vmem>>, %arg8: memref<16x1xf32, #tpu.memory_space<vmem>>, %arg9: memref<1xf32, #tpu.memory_space<vmem>>, %arg10: memref<1x1xf32, #tpu.memory_space<vmem>>) attributes {dimension_semantics = [#tpu.dimension_semantics<arbitrary>], iteration_bounds = array<i64: 1>, scalar_prefetch = 0 : i64, scratch_operands = 0 : i64, tpu.core_type = #tpu.core_type<tc>, window_params = [{pipeline_mode = #tpu.pipeline_mode<synchronous>, transform_indices = @transform_0, window_bounds = array<i64: 10000, 128>}, {transform_indices = @transform_1, window_bounds = array<i64: 2, 10000, 128>}, {pipeline_mode = #tpu.pipeline_mode<synchronous>, transform_indices = @transform_2, window_bounds = array<i64: 2, 10000>}, {pipeline_mode = #tpu.pipeline_mode<synchronous>, transform_indices = @transform_3, window_bounds = array<i64: 32>}, {pipeline_mode = #tpu.pipeline_mode<synchronous>, transform_indices = @transform_4, window_bounds = array<i64: 32, 32>}, {pipeline_mode = #tpu.pipeline_mode<synchronous>, transform_indices = @transform_5, window_bounds = array<i64: 32, 16>}, {pipeline_mode = #tpu.pipeline_mode<synchronous>, transform_indices = @transform_6, window_bounds = array<i64: 16>}, {pipeline_mode = #tpu.pipeline_mode<synchronous>, transform_indices = @transform_7, window_bounds = array<i64: 16, 1>}, {pipeline_mode = #tpu.pipeline_mode<synchronous>, transform_indices = @transform_8, window_bounds = array<i64: 1>}, {pipeline_mode = #tpu.pipeline_mode<synchronous>, transform_indices = @transform_9, window_bounds = array<i64: 1, 1>}]} {
    %get3A = arith.constant 0 : index
    %get3A_0 = arith.constant 0 : index
    %get3A_1 = vector.load %arg3[%get3A, %get3A_0] : memref<2x10000xf32, #tpu.memory_space<vmem>>, vector<1x10000xf32>
    %get3A_2 = vector.shape_cast %get3A_1 : vector<1x10000xf32> to vector<10000xf32>
    %get3A_3 = arith.constant 1 : index
    %get3A_4 = arith.constant 0 : index
    %get3A_5 = vector.load %arg3[%get3A_3, %get3A_4] : memref<2x10000xf32, #tpu.memory_space<vmem>>, vector<1x10000xf32>
    %get3A_6 = vector.shape_cast %get3A_5 : vector<1x10000xf32> to vector<10000xf32>
    %add3A = arith.addf %get3A_2, %get3A_6 : vector<10000xf32>
    %add3A_7 = arith.constant 1.000000e+00 : f32
    %add3A_8 = vector.broadcast %add3A_7 : f32 to vector<10000xf32>
    %add3A_9 = arith.addf %add3A, %add3A_8 : vector<10000xf32>
    %rsqrt3A = math.rsqrt %add3A_9 : vector<10000xf32>
    %broadcast_in_dim3A = vector.shape_cast %rsqrt3A : vector<10000xf32> to vector<10000x1xf32>
    %get3A_10 = arith.constant 0 : index
    %get3A_11 = arith.constant 0 : index
    %get3A_12 = arith.constant 0 : index
    %get3A_13 = vector.load %arg2[%get3A_10, %get3A_11, %get3A_12] : memref<2x10000x128xf32, #tpu.memory_space<vmem>>, vector<1x10000x128xf32>
    %get3A_14 = vector.shape_cast %get3A_13 : vector<1x10000x128xf32> to vector<10000x128xf32>
    %slice3A = vector.extract_strided_slice %get3A_14 {offsets = [0, 0], sizes = [10000, 32], strides = [1, 1]} : vector<10000x128xf32> to vector<10000x32xf32>
    %get3A_15 = arith.constant 1 : index
    %get3A_16 = arith.constant 0 : index
    %get3A_17 = arith.constant 0 : index
    %get3A_18 = vector.load %arg2[%get3A_15, %get3A_16, %get3A_17] : memref<2x10000x128xf32, #tpu.memory_space<vmem>>, vector<1x10000x128xf32>
    %get3A_19 = vector.shape_cast %get3A_18 : vector<1x10000x128xf32> to vector<10000x128xf32>
    %slice3A_20 = vector.extract_strided_slice %get3A_19 {offsets = [0, 0], sizes = [10000, 32], strides = [1, 1]} : vector<10000x128xf32> to vector<10000x32xf32>
    %add3A_21 = arith.addf %slice3A, %slice3A_20 : vector<10000x32xf32>
    %get3A_22 = arith.constant 0 : index
    %get3A_23 = arith.constant 0 : index
    %get3A_24 = vector.load %arg1[%get3A_22, %get3A_23] : memref<10000x128xf32, #tpu.memory_space<vmem>>, vector<10000x128xf32>
    %slice3A_25 = vector.extract_strided_slice %get3A_24 {offsets = [0, 0], sizes = [10000, 32], strides = [1, 1]} : vector<10000x128xf32> to vector<10000x32xf32>
    %add3A_26 = arith.addf %add3A_21, %slice3A_25 : vector<10000x32xf32>
    %mul3A = vector.broadcast %broadcast_in_dim3A : vector<10000x1xf32> to vector<10000x32xf32>
    %mul3A_27 = arith.mulf %mul3A, %add3A_26 : vector<10000x32xf32>
    %get3A_28 = arith.constant 0 : index
    %get3A_29 = vector.load %arg4[%get3A_28] : memref<32xf32, #tpu.memory_space<vmem>>, vector<32xf32>
    %broadcast_in_dim3A_30 = vector.shape_cast %get3A_29 : vector<32xf32> to vector<1x32xf32>
    %add3A_31 = vector.broadcast %broadcast_in_dim3A_30 : vector<1x32xf32> to vector<10000x32xf32>
    %add3A_32 = arith.addf %mul3A_27, %add3A_31 : vector<10000x32xf32>
    %get3A_33 = arith.constant 0 : index
    %get3A_34 = arith.constant 0 : index
    %get3A_35 = vector.load %arg5[%get3A_33, %get3A_34] : memref<32x32xf32, #tpu.memory_space<vmem>>, vector<32x32xf32>
    %dot_general3A = arith.constant dense<0.000000e+00> : vector<10000x32xf32>
    %dot_general3A_36 = tpu.matmul %add3A_32, %get3A_35, %dot_general3A {dimension_numbers = #tpu.dot_dimension_numbers<[1], [0], [0], [1], [0, 0, 1, 1], [], []>, transpose_lhs_hint = false} : vector<10000x32xf32>, vector<32x32xf32>, vector<10000x32xf32> -> vector<10000x32xf32>
    %reduce_sum3A = arith.constant dense<0.000000e+00> : vector<32xf32>
    %reduce_sum3A_37 = vector.multi_reduction <add>, %dot_general3A_36, %reduce_sum3A [0] : vector<10000x32xf32> to vector<32xf32>
    %broadcast_in_dim3A_38 = vector.shape_cast %reduce_sum3A_37 : vector<32xf32> to vector<1x32xf32>
    %div3A = arith.constant 1.000000e+04 : f32
    %div3A_39 = vector.broadcast %div3A : f32 to vector<1x32xf32>
    %div3A_40 = arith.divf %broadcast_in_dim3A_38, %div3A_39 : vector<1x32xf32>
    %tanh3A = math.tanh %div3A_40 : vector<1x32xf32>
    %reshape3A = vector.shape_cast %tanh3A : vector<1x32xf32> to vector<32x1xf32>
    %dot_general3A_41 = arith.constant dense<0.000000e+00> : vector<10000x1xf32>
    %dot_general3A_42 = tpu.matmul %add3A_32, %reshape3A, %dot_general3A_41 {dimension_numbers = #tpu.dot_dimension_numbers<[1], [0], [0], [1], [0, 0, 1, 1], [], []>, transpose_lhs_hint = false} : vector<10000x32xf32>, vector<32x1xf32>, vector<10000x1xf32> -> vector<10000x1xf32>
    %logistic3A = arith.negf %dot_general3A_42 : vector<10000x1xf32>
    %logistic3A_43 = math.exp %logistic3A : vector<10000x1xf32>
    %logistic3A_44 = arith.constant 1.000000e+00 : f32
    %logistic3A_45 = vector.broadcast %logistic3A_44 : f32 to vector<10000x1xf32>
    %logistic3A_46 = arith.addf %logistic3A_45, %logistic3A_43 : vector<10000x1xf32>
    %logistic3A_47 = arith.divf %logistic3A_45, %logistic3A_46 : vector<10000x1xf32>
    %dot_general3A_48 = arith.constant dense<0.000000e+00> : vector<32x1xf32>
    %dot_general3A_49 = tpu.matmul %add3A_32, %logistic3A_47, %dot_general3A_48 {dimension_numbers = #tpu.dot_dimension_numbers<[0], [0], [1], [1], [0, 1, 1, 1], [], []>, transpose_lhs_hint = false} : vector<10000x32xf32>, vector<10000x1xf32>, vector<32x1xf32> -> vector<32x1xf32>
    %reshape3A_50 = vector.shape_cast %dot_general3A_49 : vector<32x1xf32> to vector<1x32xf32>
    %get3A_51 = arith.constant 0 : index
    %get3A_52 = arith.constant 0 : index
    %get3A_53 = vector.load %arg6[%get3A_51, %get3A_52] : memref<32x16xf32, #tpu.memory_space<vmem>>, vector<32x16xf32>
    %dot_general3A_54 = arith.constant dense<0.000000e+00> : vector<1x16xf32>
    %dot_general3A_55 = tpu.matmul %reshape3A_50, %get3A_53, %dot_general3A_54 {dimension_numbers = #tpu.dot_dimension_numbers<[1], [0], [0], [1], [0, 0, 1, 1], [], []>, transpose_lhs_hint = false} : vector<1x32xf32>, vector<32x16xf32>, vector<1x16xf32> -> vector<1x16xf32>
    %get3A_56 = arith.constant 0 : index
    %get3A_57 = vector.load %arg7[%get3A_56] : memref<16xf32, #tpu.memory_space<vmem>>, vector<16xf32>
    %broadcast_in_dim3A_58 = vector.shape_cast %get3A_57 : vector<16xf32> to vector<1x16xf32>
    %add3A_59 = arith.addf %dot_general3A_55, %broadcast_in_dim3A_58 : vector<1x16xf32>
    %max3A = arith.constant 0.000000e+00 : f32
    %max3A_60 = vector.broadcast %max3A : f32 to vector<1x16xf32>
    %max3A_61 = arith.maximumf %add3A_59, %max3A_60 : vector<1x16xf32>
    %reshape3A_62 = vector.shape_cast %max3A_61 : vector<1x16xf32> to vector<16x1xf32>
    %get3A_63 = arith.constant 0 : index
    %get3A_64 = arith.constant 0 : index
    %get3A_65 = vector.load %arg8[%get3A_63, %get3A_64] : memref<16x1xf32, #tpu.memory_space<vmem>>, vector<16x1xf32>
    %mul3A_66 = arith.mulf %reshape3A_62, %get3A_65 : vector<16x1xf32>
    %reduce_sum3A_67 = arith.constant dense<0.000000e+00> : vector<1xf32>
    %reduce_sum3A_68 = vector.multi_reduction <add>, %mul3A_66, %reduce_sum3A_67 [0] : vector<16x1xf32> to vector<1xf32>
    %broadcast_in_dim3A_69 = vector.shape_cast %reduce_sum3A_68 : vector<1xf32> to vector<1x1xf32>
    %get3A_70 = arith.constant 0 : index
    %get3A_71 = vector.load %arg9[%get3A_70] : memref<1xf32, #tpu.memory_space<vmem>>, vector<1xf32>
    %broadcast_in_dim3A_72 = vector.shape_cast %get3A_71 : vector<1xf32> to vector<1x1xf32>
    %add3A_73 = arith.addf %broadcast_in_dim3A_69, %broadcast_in_dim3A_72 : vector<1x1xf32>
    %logistic3A_74 = arith.negf %add3A_73 : vector<1x1xf32>
    %logistic3A_75 = math.exp %logistic3A_74 : vector<1x1xf32>
    %logistic3A_76 = arith.constant 1.000000e+00 : f32
    %logistic3A_77 = vector.broadcast %logistic3A_76 : f32 to vector<1x1xf32>
    %logistic3A_78 = arith.addf %logistic3A_77, %logistic3A_75 : vector<1x1xf32>
    %logistic3A_79 = arith.divf %logistic3A_77, %logistic3A_78 : vector<1x1xf32>
    %swap3A = arith.constant 0 : index
    %swap3A_80 = arith.constant 0 : index
    %swap3A_81 = vector.load %arg10[%swap3A, %swap3A_80] : memref<1x1xf32, #tpu.memory_space<vmem>>, vector<1x1xf32>
    tpu.vector_store %arg10[%swap3A, %swap3A_80], %logistic3A_79 {strides = array<i32>} : memref<1x1xf32, #tpu.memory_space<vmem>>, vector<1x1xf32>,
    return
  }
  func.func @transform_0(%arg0: i32) -> (i32, i32) {
    %c0_i32 = arith.constant 0 : i32
    %c0_i32_0 = arith.constant 0 : i32
    %c0_i32_1 = arith.constant 0 : i32
    return %c0_i32, %c0_i32_0 : i32, i32
  }
  func.func @transform_1(%arg0: i32) -> (i32, i32, i32) {
    %c0_i32 = arith.constant 0 : i32
    %c0_i32_0 = arith.constant 0 : i32
    %c0_i32_1 = arith.constant 0 : i32
    %c0_i32_2 = arith.constant 0 : i32
    return %c0_i32, %c0_i32_0, %c0_i32_1 : i32, i32, i32
  }
  func.func @transform_2(%arg0: i32) -> (i32, i32) {
    %c0_i32 = arith.constant 0 : i32
    %c0_i32_0 = arith.constant 0 : i32
    %c0_i32_1 = arith.constant 0 : i32
    return %c0_i32, %c0_i32_0 : i32, i32
  }
  func.func @transform_3(%arg0: i32) -> i32 {
    %c0_i32 = arith.constant 0 : i32
    %c0_i32_0 = arith.constant 0 : i32
    return %c0_i32 : i32
  }
  func.func @transform_4(%arg0: i32) -> (i32, i32) {
    %c0_i32 = arith.constant 0 : i32
    %c0_i32_0 = arith.constant 0 : i32
    %c0_i32_1 = arith.constant 0 : i32
    return %c0_i32, %c0_i32_0 : i32, i32
  }
  func.func @transform_5(%arg0: i32) -> (i32, i32) {
    %c0_i32 = arith.constant 0 : i32
    %c0_i32_0 = arith.constant 0 : i32
    %c0_i32_1 = arith.constant 0 : i32
    return %c0_i32, %c0_i32_0 : i32, i32
  }
  func.func @transform_6(%arg0: i32) -> i32 {
    %c0_i32 = arith.constant 0 : i32
    %c0_i32_0 = arith.constant 0 : i32
    return %c0_i32 : i32
  }
  func.func @transform_7(%arg0: i32) -> (i32, i32) {
    %c0_i32 = arith.constant 0 : i32
    %c0_i32_0 = arith.constant 0 : i32
    %c0_i32_1 = arith.constant 0 : i32
    return %c0_i32, %c0_i32_0 : i32, i32
  }
  func.func @transform_8(%arg0: i32) -> i32 {
    %c0_i32 = arith.constant 0 : i32
    %c0_i32_0 = arith.constant 0 : i32
    return %c0_i32 : i32
  }
  func.func @transform_9(%arg0: i32) -> (i32, i32) {
    %c0_i32 = arith.constant 0 : i32
    %c0_i32_0 = arith.constant 0 : i32
    %c0_i32_1 = arith.constant 0 : i32
    return %c0_i32, %c0_i32_0 : i32, i32
  }
}

</mosaic_0001>

<sc_bundles>
// kernel: kernel.10.cloned.1.call-start
scs
__scs_entry_jumppad:
0x0: {  	(pc) =	sbr.rel $0x88, $3  }
0x1: {  	(tag) =	ssettag $0x0;
	lr =	simm.s32 $0x1  }
0x2: {  	[smem:$0x3F94] =	sst lr;
	_ =	strace $0xD0000000  }
0x3: {  	_ = 	snop  }
0x4: {  	_ = 	snop  }
0x5: {  	_ = 	snop  }
0x6: {  	_ = 	snop  }
0x7: {  	_ = 	snop  }
__scs_overlays_trampoline_lowered:
0x8: {  	[smem:$0x3FA3] =	sst s0  }
0x9: {  	[smem:$0x3FA4] =	sst s1  }
0xa: {  	[smem:$0x3FA5] =	sst s2  }
0xb: {  	[smem:$0x3FA6] =	sst s3  }
0xc: {  	[smem:$0x3FA7] =	sst s4  }
0xd: {  	[smem:$0x3FA8] =	sst s5  }
0xe: {  	[smem:$0x3FA9] =	sst s6  }
0xf: {  	[smem:$0x3FAA] =	sst s7  }
0x10: {  	[smem:$0x3FAB] =	sst s8  }
0x11: {  	[smem:$0x3FAC] =	sst s9;
	s0 =	simm.s32 @!p0 $0x0  }
0x12: {  	s1 =	sld [smem:$0x3F92];
	s0 =	simm.s32 @p0 $0x1  }
0x13: {  	[smem:$0x3FAD] =	sst s0;
	s0 =	simm.s32 @!p1 $0x0  }
0x14: {  	s2 =	sld [smem:$0x3F91];
	s0 =	simm.s32 @p1 $0x1  }
0x15: {  	[smem:$0x3FAE] =	sst s0;
	s0 =	simm.s32 @!p2 $0x0  }
0x16: {  	s3 =	sld [smem:$0x3FDB];
	s0 =	simm.s32 @p2 $0x1  }
0x17: {  	s4 =	simm.s32 $0x1BF5;
	[smem:$0x3FB0] =	sst s0  }
0x18: {  	s0 =	sld [smem:$0x3F93];
	_ =	swait.ge [sflag:s4], $0x0  }
0x19: {  	s7 =	sld [smem:$0x3F94]  }
0x1a: {  	s8 =	sadd.s32 $0xFFFFE003, lr  }
0x1b: {  	s9 =	sadd.s32 $0xFFFFFEF7, lr;
	s5 =	simm.s32 $0xFFFFFFFF;
	p2 =	slt.u32 s8, $0xFFFFF086  }
0x1c: {  	p1 =	slt.u32 s9, $0xF7A;
	s5 =	simm.s32 @!p2 $0x0  }
0x1d: {  	s5 =	simm.s32 @p1 $0x1;
	p0 =	seq.s32 s7, s2  }
0x1e: {  	s7 =	smul.u32 @!p0 $0xF7A, s2;
	p2 =	seq.s32 @!p0 s5, $0x0  }
0x1f: {  	s9 =	smul.u32 $0xF7A, s1;
	s8 =	simm.s32 @!p0 $0x1BF5;
	p2 =	por !p2, p0  }
0x20: {  	[sflag:s8] =	ssyncset.s32 @!p0 $0xFFFFF086;
	s6 =	sadd.s32 @!p0 s3, s7;
	s7 =	simm.s32 @!p0 $0x108  }
0x21: {  	s3 =	sadd.s32 s3, s9;
	s6 =	sadd.s32 @!p0 $0x88, s6;
	s7 =	simm.s32 @p2 $0x1082  }
0x22: {  	[simem:s7], [sflag:s8] =	dma.local @!p0 [hbm:s6], $0xF7A  }
0x23: {  	s9 =	sor.u32 $0xD0000000, s2;
	s6 =	simm.s32 $0x108;
	_ =	swait.ge @!p0 [sflag:s8], $0x0  }
0x24: {  	s3 =	sadd.s32 $0x88, s3;
	s6 =	simm.s32 @!p1 $0x1082;
	[sflag:s4] =	ssyncset.s32 $0xFFFFF086  }
0x25: {  	[simem:s6], [sflag:s4] =	dma.local [hbm:s3], $0xF7A  }
0x26: {  	[smem:$0x3F94] =	sst s1;
	(tag) =	ssettag s2;
	_ =	strace s9  }
0x27: {  	s1 =	sld [smem:$0x3FA4]  }
0x28: {  	s2 =	sld [smem:$0x3FA5]  }
0x29: {  	s4 =	sld [smem:$0x3FA7]  }
0x2a: {  	p0 =	seq.s32 s5, $0x0;
	s5 =	sld [smem:$0x3FA8]  }
0x2b: {  	s6 =	sld [smem:$0x3FA9]  }
0x2c: {  	s7 =	sld [smem:$0x3FAA]  }
0x2d: {  	s3 =	simm.s32 $0x108;
	s8 =	sld [smem:$0x3FAB]  }
0x2e: {  	s3 =	simm.s32 @!p0 $0x1082;
	s9 =	sld [smem:$0x3FAC]  }
0x2f: {  	lr =	sadd.s32 s0, s3;
	s0 =	sld [smem:$0x3FA3]  }
0x30: {  	s3 =	sld [smem:$0x3FA6]  }
0x31: {  	[smem:$0x3FAF] =	sst s10  }
0x32: {  	s10 =	sld [smem:$0x3FAD];
	_ =	sdelay $0x3  }
0x33: {  	p0 =	seq.s32 s10, $0x1;
	s10 =	sld [smem:$0x3FAF];
	_ =	sdelay $0x3  }
0x34: {  	[smem:$0x3FAF] =	sst s10  }
0x35: {  	s10 =	sld [smem:$0x3FAE];
	_ =	sdelay $0x3  }
0x36: {  	p1 =	seq.s32 s10, $0x1;
	s10 =	sld [smem:$0x3FAF];
	_ =	sdelay $0x3  }
0x37: {  	[smem:$0x3FAF] =	sst s10  }
0x38: {  	s10 =	sld [smem:$0x3FB0]  }
0x39: {  	_ = 	snop;
	(pc) =	sbr.ind lr, $3  }
0x3a: {  	_ = 	snop  }
0x3b: {  	_ = 	snop  }
0x3c: {  	p2 =	seq.s32 s10, $0x1;
	s10 =	sld [smem:$0x3FAF]  }
0x3d: {  	_ =	shalt  }
0x3e: {  	_ =	shalt  }
0x3f: {  	_ =	shalt  }
0x40: {  	_ =	shalt  }
0x41: {  	_ =	shalt  }
0x42: {  	_ =	shalt  }
0x43: {  	_ =	shalt  }
0x44: {  	_ =	shalt  }
0x45: {  	_ =	shalt  }
0x46: {  	_ =	shalt  }
0x47: {  	_ =	shalt  }
0x48: {  	_ =	shalt  }
0x49: {  	_ =	shalt  }
0x4a: {  	_ =	shalt  }
0x4b: {  	_ =	shalt  }
0x4c: {  	_ =	shalt  }
0x4d: {  	_ =	shalt  }
0x4e: {  	_ =	shalt  }
0x4f: {  	_ =	shalt  }
0x50: {  	_ =	shalt  }
0x51: {  	_ =	shalt  }
0x52: {  	_ =	shalt  }
0x53: {  	_ =	shalt  }
0x54: {  	_ =	shalt  }
0x55: {  	_ =	shalt  }
0x56: {  	_ =	shalt  }
0x57: {  	_ =	shalt  }
0x58: {  	_ =	shalt  }
0x59: {  	_ =	shalt  }
0x5a: {  	_ =	shalt  }
0x5b: {  	_ =	shalt  }
0x5c: {  	_ =	shalt  }
0x5d: {  	_ =	shalt  }
0x5e: {  	_ =	shalt  }
0x5f: {  	_ =	shalt  }
0x60: {  	_ =	shalt  }
0x61: {  	_ =	shalt  }
0x62: {  	_ =	shalt  }
0x63: {  	_ =	shalt  }
0x64: {  	_ =	shalt  }
0x65: {  	_ =	shalt  }
0x66: {  	_ =	shalt  }
0x67: {  	_ =	shalt  }
0x68: {  	_ =	shalt  }
0x69: {  	_ =	shalt  }
0x6a: {  	_ =	shalt  }
0x6b: {  	_ =	shalt  }
0x6c: {  	_ =	shalt  }
0x6d: {  	_ =	shalt  }
0x6e: {  	_ =	shalt  }
0x6f: {  	_ =	shalt  }
0x70: {  	_ =	shalt  }
0x71: {  	_ =	shalt  }
0x72: {  	_ =	shalt  }
0x73: {  	_ =	shalt  }
0x74: {  	_ =	shalt  }
0x75: {  	_ =	shalt  }
0x76: {  	_ =	shalt  }
0x77: {  	_ =	shalt  }
0x78: {  	_ =	shalt  }
0x79: {  	_ =	shalt  }
0x7a: {  	_ =	shalt  }
0x7b: {  	_ =	shalt  }
0x7c: {  	_ =	shalt  }
0x7d: {  	_ =	shalt  }
0x7e: {  	_ =	shalt  }
0x7f: {  	_ =	shalt  }
0x80: {  	_ =	shalt  }
0x81: {  	_ =	shalt  }
0x82: {  	_ =	shalt  }
0x83: {  	_ =	shalt  }
0x84: {  	_ =	shalt  }
0x85: {  	_ =	shalt  }
0x86: {  	_ =	shalt  }
0x87: {  	_ =	shalt  }
.Lfunc_end0:
.L_simem_size_0:
called_computation_lowered:
.L_overlay_start_0:
0x88: {  	s2 =	sld [smem:$0x3FD9]  }
0x89: {  	s3 =	sld [smem:$0x3FFE];
	_ =	sdelay $0x1  }
0x8a: {  	s1 =	srdreg.scid  }
0x8b: {  	s0 =	sand.u32 $0x1, s1  }
0x8c: {  	s17 =	sshll.u32 s0, $0xA;
	s2 =	sadd.s32 s3, s2  }
0x8d: {  	s2 =	sadd.s32 s2, s17  }
0x8e: {  	[smem:$0x3FBB] =	sst s2  }
0x8f: {  	_ = 	snop  }
0x90: {  	s2 =	sld [smem:$0x3FD0];
	(tm) =	ssettm $0x1  }
0x91: {  	s18 =	sld [smem:$0x3FFB];
	_ =	sdelay $0x3  }
0x92: {  	_ =	strace s18  }
0x93: {  	s3 =	sld [smem:$0x3FFC];
	_ =	sdelay $0x3  }
0x94: {  	_ =	strace s3  }
0x95: {  	s3 =	sld [smem:$0x3FFD];
	_ =	sdelay $0x3  }
0x96: {  	_ =	strace s3  }
0x97: {  	_ =	strace $0x8FFFFFFF  }
0x98: {  	s19 =	sld [smem:$0x3FDB];
	_ =	sdelay $0x1  }
0x99: {  	s4 =	simm.s32 $_scs_section_size  }
0x9a: {  	s5 =	simm.s32 $_size__tile_overlayer_lowered;
	s6 =	simm.s32 $_tile_overlayer_lowered  }
0x9b: {  	s22 =	simm.s32 $0x1BFF;
	s21 =	sshll.u32 s6, $0x1;
	s3 =	sadd.s32 s4, s19  }
0x9c: {  	s7 =	simm.s32 $0x0;
	s20 =	sshll.u32 s5, $0x1;
	s5 =	sadd.s32 s21, s3  }
0x9d: {  	[timem:s7], [sflag:s22] =	dma.local [hbm:s5], s20  }
0x9e: {  	_ =	swait.ge [sflag:s22], s20  }
0x9f: {  	s4 =	ssub.s32 $0x0, s20;
	[sflag:s22] =	ssyncset.done $0x0  }
0xa0: {  	[sflag:s22] =	ssyncadd.s32 s4;
	_ =	sdelay $0x1  }
0xa1: {  	s23 =	simm.s32 $0x1B8B  }
0xa2: {  	_ =	swait.ge [sflag:s23], $0x1  }
0xa3: {  	[sflag:s23] =	ssyncset.done $0x0  }
0xa4: {  	s25 =	simm.s32 $0x1B8E;
	s24 =	sld [smem:$0x3FFE];
	[sflag:s23] =	ssyncadd.s32 $0xFFFFFFFF  }
0xa5: {  	s26 =	simm.s32 $execute0_lowered;
	[smem:$0x3FD2] =	sst s25  }
0xa6: {  	s5 =	sshll.u32 s26, $0x1;
	_ =	strace $0x80000046;
	[dreg:$0x1] =	wrdreg $0xFFFFFFFF  }
0xa7: {  	s28 =	simm.s32 $_size_execute0_lowered;
	s3 =	sadd.s32 s3, s5;
	[dreg:$0x0] =	wrdreg $0x0  }
0xa8: {  	s5 =	sshll.u32 s28, $0x1;
	[dreg:$0x2] =	wrdreg s3  }
0xa9: {  	[dreg:$0x3] =	wrdreg s5  }
0xaa: {  	[dreg:$0x4] =	wrdreg $0xC0  }
0xab: {  	_ =	task [dreg:s7], $0x5FFFF  }
0xac: {  	[dreg:$0x1] =	wrdreg $0xFFFFFFFF  }
0xad: {  	[dreg:$0x0] =	wrdreg $0x60  }
0xae: {  	[dreg:$0x2] =	wrdreg s24  }
0xaf: {  	[dreg:$0x3] =	wrdreg s2  }
0xb0: {  	[dreg:$0x4] =	wrdreg $0x0  }
0xb1: {  	[dreg:$0x5] =	wrdreg $0x9  }
0xb2: {  	_ =	task.clear_ibuf [dreg:s7], $0x6FFFF;
	_ =	strace $0x90000046  }
0xb3: {  	s29 =	simm.s32 $0x9;
	_ =	strace $0x80000048  }
0xb4: {  	_ =	swait.ge [sflag:s29], $0x1  }
0xb5: {  	[sflag:s29] =	ssyncadd.s32 $0xFFFFFFFF  }
0xb6: {  	_ =	strace $0x90000048  }
0xb7: {  	_ =	sfence  }
0xb8: {  	s30 =	sld [smem:$0x0];
	_ =	sdelay $0x2  }
0xb9: {  	s31 =	sshll.u32 s1, $0xD;
	s1 =	sshrl.u32 s1, $0x2  }
0xba: {  	s3 =	sand.u32 $0x4000, s31;
	s1 =	sadd.s32 s1, s30  }
0xbb: {  	s0 =	sor.u32 s3, s0;
	s1 =	sshll.u32 s1, $0x11  }
0xbc: {  	s0 =	sor.u32 s1, s0  }
0xbd: {  	s0 =	sadd.s32 $0x8F2B, s0  }
0xbe: {  	[sflag:s0] =	ssyncadd.remote.s32 $0x1  }
0xbf: {  	_ =	sfence.sel $0xFFFF  }
0xc0: {  	[dreg:$0x0] =	wrdreg $0xFFFFFFFF;
	(pc) =	sbr.abs _section_cstart, $3  }
0xc1: {  	[dreg:$0x1] =	wrdreg $0xFFFFFFFF  }
0xc2: {  	_ =	task.clear_ibuf [dreg:s7], $0x2FFFF;
	_ =	strace $0x9FFFFFFF  }
0xc3: {  	(tm) =	ssettm $0x7FFFFFFF  }
tec
execute0_lowered:
.L_overlay_start_1:
0x0: {  	(tag) =	ssettag $0x1  }
0x1: {  	s6 =	rddreg [dreg:$0x0]  }
0x2: {  	s2 =	rddreg [dreg:$0x1]  }
0x3: {  	s3 =	rddreg [dreg:$0x2]  }
0x4: {  	s0 =	rddreg [dreg:$0x3];
	s1 =	stileid.u32  }
0x5: {  	s5 =	srdreg.scid;
	s4 =	simm.s32 $0x0;
	s15 =	simm.s32 $0x20  }
0x6: {  	s16 =	simm.s32 $0x10;
	s17 =	simm.s32 $0x0;
	s29 =	smul.u32 $0x500, s1  }
0x7: {  	s7 =	sand.u32 $0x1, s5;
	[smem:$0x7FF] =	sst s4;
	s8 =	smul.u32 $0xA00, s1  }
0x8: {  	s12 =	sshll.u32 s1, $0x6;
	s9 =	sshll.u32 s7, $0x7;
	_ =	strace $0x80000047  }
0x9: {  	s11 =	ssub.s32 $0x2, s7;
	s13 =	smul.u32 $0x500, s7;
	s5 =	sor.u32 s9, s29  }
0xa: {  	s30 =	sadd.s32 s8, s6;
	s31 =	sshrl.u32 s11, $0x1;
	s8 =	sshrl.u32 s8, $0x2  }
0xb: {  	s10 =	sshrl.u32 s5, $0x3;
	s5 =	sadd.s32 $0xDC00, s6;
	s11 =	ssub.s32 s11, s31  }
0xc: {  	s14 =	sadd.s32 s8, s3;
	s9 =	sadd.s32 s13, s30;
	s13 =	simm.s32 $0x280  }
0xd: {  	s10 =	sadd.s32 s10, s6;
	s6 =	sor.u32 $0x1C01, s12;
	s8 =	smax.u32 s11, $0x1  }
0xe: {  	s9 =	sadd.s32 $0x3C00, s9;
	s11 =	simm.s32 $0x1;
	s12 =	simm.s32 $0x300  }
0xf: {  	s7 =	sadd.s32 $0xDE00, s10;
	s10 =	sshrl.u32 s14, $0x3;
	s14 =	simm.s32 $0x80  }
.LBB2_1:
0x10: {  	[spmem:s10], [sflag:s6] =	dma.local [hbm:s5], $0x50  }
0x11: {  	_ =	swait.ge [sflag:s11], $0x50  }
0x12: {  	[sflag:s11] =	ssyncset.done $0x0  }
0x13: {  	[sflag:s11] =	ssyncadd.s32 $0xFFFFFFB0  }
0x14: {  	[tilespmem:s12], [sflag:$0x1] =	stream.linear.gather [hbm4b:s2+s4], $0x80, $0x38;
	[tilespmem:$0x380] =	vst v63  }
0x15: {  	_ =	swait.ge [sflag:s11], $0x80  }
0x16: {  	[sflag:s11] =	ssyncset.done $0x0  }
0x17: {  	[sflag:s11] =	ssyncadd.s32 $0xFFFFFF80  }
0x18: {  	s18 =	sadd.s32 $0x0, s9;
	[bflag:$0x0] =	sbarrier.arrive $0xFFFF  }
0x19: {  	[tilespmem:s13], [sflag:$0x1] =	stream.linear.gather [hbm4b:s18+s4], $0x80, $0x38;
	[tilespmem:$0x380] =	vst v63  }
0x1a: {  	_ =	swait.ge [sflag:s11], $0x80  }
0x1b: {  	[sflag:s11] =	ssyncset.done $0x0  }
0x1c: {  	[sflag:s11] =	ssyncadd.s32 $0xFFFFFF80  }
0x1d: {  	[spmem:s3] =	stream.indirect.scatter.add.f32 [tilespmem:s12], [sflag:$0x1], $0x1, s13, s14, $0xb8;
	[tilespmem:$0x380] =	vst v63  }
0x1e: {  	_ =	swait.ge [sflag:s11], $0x80  }
0x1f: {  	s19 =	simm.s32 $0x20;
	s18 =	simm.s32 $0x10;
	[sflag:s11] =	ssyncset.done $0x0  }
.LBB2_2:
0x20: {  	s20 =	sadd.s32 s18, s9  }
0x21: {  	[sflag:s11] =	ssyncadd.s32 $0xFFFFFF80;
	s18 =	smov.u32 s19;
	s21 =	sadd.s32 $0x10, s19  }
0x22: {  	[tilespmem:s13], [sflag:$0x1] =	stream.linear.gather [hbm4b:s20+s4], $0x80, $0x38;
	[tilespmem:$0x380] =	vst v63  }
0x23: {  	p0 =	sne.s32 s19, $0x4F0;
	_ =	swait.ge [sflag:s11], $0x80  }
.Ltmp0:
0x24: {  	[sflag:s11] =	ssyncset.done $0x0;
	(pc) =	sbr.rel @p0 .LBB2_2-.Ltmp0, $4  }
0x25: {  	[sflag:s11] =	ssyncadd.s32 $0xFFFFFF80  }
0x26: {  	[spmem:s3] =	stream.indirect.scatter.add.f32 [tilespmem:s12], [sflag:$0x1], $0x1, s13, s14, $0xb8;
	[tilespmem:$0x380] =	vst v63  }
0x27: {  	_ =	swait.ge [sflag:s11], $0x80  }
0x28: {  	s19 =	smov.u32 s21;
	[sflag:s11] =	ssyncset.done $0x0  }
0x29: {  	s18 =	sadd.s32 s18, s9;
	[sflag:s11] =	ssyncadd.s32 $0xFFFFFF80  }
0x2a: {  	[tilespmem:s13], [sflag:$0x1] =	stream.linear.gather [hbm4b:s18+s4], $0x80, $0x38;
	[tilespmem:$0x380] =	vst v63  }
0x2b: {  	_ =	swait.ge [sflag:s11], $0x80  }
0x2c: {  	[sflag:s11] =	ssyncset.done $0x0  }
0x2d: {  	[sflag:s11] =	ssyncadd.s32 $0xFFFFFF80  }
0x2e: {  	[spmem:s3] =	stream.indirect.scatter.add.f32 [tilespmem:s12], [sflag:$0x1], $0x1, s13, s14, $0xb8;
	[tilespmem:$0x380] =	vst v63  }
0x2f: {  	_ =	swait.ge [sflag:s11], $0x80  }
0x30: {  	s17 =	sadd.s32 $0x1, s17;
	[sflag:s11] =	ssyncset.done $0x0  }
0x31: {  	p0 =	sne.s32 s17, s8;
	[sflag:s11] =	ssyncadd.s32 $0xFFFFFF80  }
.Ltmp1:
0x32: {  	[bflag:$0x0] =	sbarrier.arrive $0xFFFF;
	(pc) =	sbr.rel @p0 .LBB2_1-.Ltmp1, $4  }
0x33: {  	[hbm:s7@s15], [sflag:s6] =	dma.strided [spmem:s10@s16], $0x50, s11, $0x10   }
0x34: {  	_ =	swait.ge [sflag:s11], $0x50  }
0x35: {  	[sflag:s11] =	ssyncset.done $0x0  }
0x36: {  	[sflag:s11] =	ssyncadd.s32 $0xFFFFFFB0  }
0x37: {  	_ =	sfence.sel $0x180000  }
0x38: {  	[bflag:$0x0] =	sbarrier.arrive $0xFFFF  }
0x39: {  	p0 =	sne.s32 s1, $0x0;
	_ =	strace $0x90000047  }
0x3a: {  	s0 =	sadd.s32 @!p0 $0x100000, s0;
	[bflag:$0x2] =	sbarrier.arrive $0xFFFF  }
0x3b: {  	[sflag:s0] =	ssyncadd.tile.s32 @!p0 $0x1;
	_ =	shalt  }
.Lfunc_end2:
_tile_overlayer_lowered:
.L_overlay_start_2:
0x3c: {  	(tag) =	ssettag $0x2  }
0x3d: {  	s0 =	rddreg [dreg:$0x0];
	s2 =	stileid.u32  }
0x3e: {  	s1 =	rddreg [dreg:$0x1];
	p0 =	sne.s32 s2, $0x0  }
0x3f: {  	s3 =	rddreg [dreg:$0x2];
	[bflag:$0x3] =	sbarrier.arrive $0xFFFF;
	s2 =	simm.s32 @!p0 $0x1C01  }
0x40: {  	[timem:s3], [sflag:s2] =	dma.local @!p0 [hbm:s0], s1  }
0x41: {  	s0 =	simm.s32 @!p0 $0x1  }
0x42: {  	_ =	swait.ge @!p0 [sflag:s0], s1  }
0x43: {  	s1 =	ssub.s32 @!p0 $0x0, s1;
	[sflag:s0] =	ssyncset.done @!p0 $0x0  }
0x44: {  	[sflag:s0] =	ssyncadd.s32 @!p0 s1  }
0x45: {  	[bflag:$0x3] =	sbarrier.arrive $0xFFFF  }
0x46: {  	_ =	shalt  }

// kernel: kernel.13.cloned.1.call-start
scs
__scs_entry_jumppad:
0x0: {  	(pc) =	sbr.rel $0x88, $3  }
0x1: {  	(tag) =	ssettag $0x0;
	lr =	simm.s32 $0x1  }
0x2: {  	[smem:$0x3F94] =	sst lr;
	_ =	strace $0xD0000000  }
0x3: {  	_ = 	snop  }
0x4: {  	_ = 	snop  }
0x5: {  	_ = 	snop  }
0x6: {  	_ = 	snop  }
0x7: {  	_ = 	snop  }
__scs_overlays_trampoline_lowered:
0x8: {  	[smem:$0x3FA3] =	sst s0  }
0x9: {  	[smem:$0x3FA4] =	sst s1  }
0xa: {  	[smem:$0x3FA5] =	sst s2  }
0xb: {  	[smem:$0x3FA6] =	sst s3  }
0xc: {  	[smem:$0x3FA7] =	sst s4  }
0xd: {  	[smem:$0x3FA8] =	sst s5  }
0xe: {  	[smem:$0x3FA9] =	sst s6  }
0xf: {  	[smem:$0x3FAA] =	sst s7  }
0x10: {  	[smem:$0x3FAB] =	sst s8  }
0x11: {  	[smem:$0x3FAC] =	sst s9;
	s0 =	simm.s32 @!p0 $0x0  }
0x12: {  	s1 =	sld [smem:$0x3F92];
	s0 =	simm.s32 @p0 $0x1  }
0x13: {  	[smem:$0x3FAD] =	sst s0;
	s0 =	simm.s32 @!p1 $0x0  }
0x14: {  	s2 =	sld [smem:$0x3F91];
	s0 =	simm.s32 @p1 $0x1  }
0x15: {  	[smem:$0x3FAE] =	sst s0;
	s0 =	simm.s32 @!p2 $0x0  }
0x16: {  	s3 =	sld [smem:$0x3FDB];
	s0 =	simm.s32 @p2 $0x1  }
0x17: {  	s4 =	simm.s32 $0x1BF5;
	[smem:$0x3FB0] =	sst s0  }
0x18: {  	s0 =	sld [smem:$0x3F93];
	_ =	swait.ge [sflag:s4], $0x0  }
0x19: {  	s7 =	sld [smem:$0x3F94]  }
0x1a: {  	s8 =	sadd.s32 $0xFFFFE003, lr  }
0x1b: {  	s9 =	sadd.s32 $0xFFFFFEF7, lr;
	s5 =	simm.s32 $0xFFFFFFFF;
	p2 =	slt.u32 s8, $0xFFFFF086  }
0x1c: {  	p1 =	slt.u32 s9, $0xF7A;
	s5 =	simm.s32 @!p2 $0x0  }
0x1d: {  	s5 =	simm.s32 @p1 $0x1;
	p0 =	seq.s32 s7, s2  }
0x1e: {  	s7 =	smul.u32 @!p0 $0xF7A, s2;
	p2 =	seq.s32 @!p0 s5, $0x0  }
0x1f: {  	s9 =	smul.u32 $0xF7A, s1;
	s8 =	simm.s32 @!p0 $0x1BF5;
	p2 =	por !p2, p0  }
0x20: {  	[sflag:s8] =	ssyncset.s32 @!p0 $0xFFFFF086;
	s6 =	sadd.s32 @!p0 s3, s7;
	s7 =	simm.s32 @!p0 $0x108  }
0x21: {  	s3 =	sadd.s32 s3, s9;
	s6 =	sadd.s32 @!p0 $0x88, s6;
	s7 =	simm.s32 @p2 $0x1082  }
0x22: {  	[simem:s7], [sflag:s8] =	dma.local @!p0 [hbm:s6], $0xF7A  }
0x23: {  	s9 =	sor.u32 $0xD0000000, s2;
	s6 =	simm.s32 $0x108;
	_ =	swait.ge @!p0 [sflag:s8], $0x0  }
0x24: {  	s3 =	sadd.s32 $0x88, s3;
	s6 =	simm.s32 @!p1 $0x1082;
	[sflag:s4] =	ssyncset.s32 $0xFFFFF086  }
0x25: {  	[simem:s6], [sflag:s4] =	dma.local [hbm:s3], $0xF7A  }
0x26: {  	[smem:$0x3F94] =	sst s1;
	(tag) =	ssettag s2;
	_ =	strace s9  }
0x27: {  	s1 =	sld [smem:$0x3FA4]  }
0x28: {  	s2 =	sld [smem:$0x3FA5]  }
0x29: {  	s4 =	sld [smem:$0x3FA7]  }
0x2a: {  	p0 =	seq.s32 s5, $0x0;
	s5 =	sld [smem:$0x3FA8]  }
0x2b: {  	s6 =	sld [smem:$0x3FA9]  }
0x2c: {  	s7 =	sld [smem:$0x3FAA]  }
0x2d: {  	s3 =	simm.s32 $0x108;
	s8 =	sld [smem:$0x3FAB]  }
0x2e: {  	s3 =	simm.s32 @!p0 $0x1082;
	s9 =	sld [smem:$0x3FAC]  }
0x2f: {  	lr =	sadd.s32 s0, s3;
	s0 =	sld [smem:$0x3FA3]  }
0x30: {  	s3 =	sld [smem:$0x3FA6]  }
0x31: {  	[smem:$0x3FAF] =	sst s10  }
0x32: {  	s10 =	sld [smem:$0x3FAD];
	_ =	sdelay $0x3  }
0x33: {  	p0 =	seq.s32 s10, $0x1;
	s10 =	sld [smem:$0x3FAF];
	_ =	sdelay $0x3  }
0x34: {  	[smem:$0x3FAF] =	sst s10  }
0x35: {  	s10 =	sld [smem:$0x3FAE];
	_ =	sdelay $0x3  }
0x36: {  	p1 =	seq.s32 s10, $0x1;
	s10 =	sld [smem:$0x3FAF];
	_ =	sdelay $0x3  }
0x37: {  	[smem:$0x3FAF] =	sst s10  }
0x38: {  	s10 =	sld [smem:$0x3FB0]  }
0x39: {  	_ = 	snop;
	(pc) =	sbr.ind lr, $3  }
0x3a: {  	_ = 	snop  }
0x3b: {  	_ = 	snop  }
0x3c: {  	p2 =	seq.s32 s10, $0x1;
	s10 =	sld [smem:$0x3FAF]  }
0x3d: {  	_ =	shalt  }
0x3e: {  	_ =	shalt  }
0x3f: {  	_ =	shalt  }
0x40: {  	_ =	shalt  }
0x41: {  	_ =	shalt  }
0x42: {  	_ =	shalt  }
0x43: {  	_ =	shalt  }
0x44: {  	_ =	shalt  }
0x45: {  	_ =	shalt  }
0x46: {  	_ =	shalt  }
0x47: {  	_ =	shalt  }
0x48: {  	_ =	shalt  }
0x49: {  	_ =	shalt  }
0x4a: {  	_ =	shalt  }
0x4b: {  	_ =	shalt  }
0x4c: {  	_ =	shalt  }
0x4d: {  	_ =	shalt  }
0x4e: {  	_ =	shalt  }
0x4f: {  	_ =	shalt  }
0x50: {  	_ =	shalt  }
0x51: {  	_ =	shalt  }
0x52: {  	_ =	shalt  }
0x53: {  	_ =	shalt  }
0x54: {  	_ =	shalt  }
0x55: {  	_ =	shalt  }
0x56: {  	_ =	shalt  }
0x57: {  	_ =	shalt  }
0x58: {  	_ =	shalt  }
0x59: {  	_ =	shalt  }
0x5a: {  	_ =	shalt  }
0x5b: {  	_ =	shalt  }
0x5c: {  	_ =	shalt  }
0x5d: {  	_ =	shalt  }
0x5e: {  	_ =	shalt  }
0x5f: {  	_ =	shalt  }
0x60: {  	_ =	shalt  }
0x61: {  	_ =	shalt  }
0x62: {  	_ =	shalt  }
0x63: {  	_ =	shalt  }
0x64: {  	_ =	shalt  }
0x65: {  	_ =	shalt  }
0x66: {  	_ =	shalt  }
0x67: {  	_ =	shalt  }
0x68: {  	_ =	shalt  }
0x69: {  	_ =	shalt  }
0x6a: {  	_ =	shalt  }
0x6b: {  	_ =	shalt  }
0x6c: {  	_ =	shalt  }
0x6d: {  	_ =	shalt  }
0x6e: {  	_ =	shalt  }
0x6f: {  	_ =	shalt  }
0x70: {  	_ =	shalt  }
0x71: {  	_ =	shalt  }
0x72: {  	_ =	shalt  }
0x73: {  	_ =	shalt  }
0x74: {  	_ =	shalt  }
0x75: {  	_ =	shalt  }
0x76: {  	_ =	shalt  }
0x77: {  	_ =	shalt  }
0x78: {  	_ =	shalt  }
0x79: {  	_ =	shalt  }
0x7a: {  	_ =	shalt  }
0x7b: {  	_ =	shalt  }
0x7c: {  	_ =	shalt  }
0x7d: {  	_ =	shalt  }
0x7e: {  	_ =	shalt  }
0x7f: {  	_ =	shalt  }
0x80: {  	_ =	shalt  }
0x81: {  	_ =	shalt  }
0x82: {  	_ =	shalt  }
0x83: {  	_ =	shalt  }
0x84: {  	_ =	shalt  }
0x85: {  	_ =	shalt  }
0x86: {  	_ =	shalt  }
0x87: {  	_ =	shalt  }
.Lfunc_end0:
.L_simem_size_0:
called_computation.1_lowered:
.L_overlay_start_0:
0x88: {  	s2 =	sld [smem:$0x3FD9]  }
0x89: {  	s3 =	sld [smem:$0x3FFE];
	_ =	sdelay $0x1  }
0x8a: {  	s1 =	srdreg.scid  }
0x8b: {  	s0 =	sand.u32 $0x1, s1  }
0x8c: {  	s16 =	sshll.u32 s0, $0xA;
	s2 =	sadd.s32 s3, s2  }
0x8d: {  	s2 =	sadd.s32 s2, s16  }
0x8e: {  	[smem:$0x3FBB] =	sst s2  }
0x8f: {  	_ = 	snop  }
0x90: {  	(tm) =	ssettm $0x1  }
0x91: {  	s17 =	sld [smem:$0x3FFB];
	_ =	sdelay $0x3  }
0x92: {  	_ =	strace s17  }
0x93: {  	s2 =	sld [smem:$0x3FFC];
	_ =	sdelay $0x3  }
0x94: {  	_ =	strace s2  }
0x95: {  	s2 =	sld [smem:$0x3FFD];
	_ =	sdelay $0x3  }
0x96: {  	_ =	strace s2  }
0x97: {  	_ =	strace $0x8FFFFFFF  }
0x98: {  	s18 =	sld [smem:$0x3FDB];
	_ =	sdelay $0x1  }
0x99: {  	s19 =	simm.s32 $_scs_section_size  }
0x9a: {  	s4 =	simm.s32 $_size__tile_overlayer_lowered;
	s5 =	simm.s32 $_tile_overlayer_lowered  }
0x9b: {  	s22 =	simm.s32 $0x1BFF;
	s21 =	sshll.u32 s5, $0x1;
	s2 =	sadd.s32 s19, s18  }
0x9c: {  	s6 =	simm.s32 $0x0;
	s20 =	sshll.u32 s4, $0x1;
	s4 =	sadd.s32 s21, s2  }
0x9d: {  	[timem:s6], [sflag:s22] =	dma.local [hbm:s4], s20  }
0x9e: {  	_ =	swait.ge [sflag:s22], s20  }
0x9f: {  	s3 =	ssub.s32 $0x0, s20;
	[sflag:s22] =	ssyncset.done $0x0  }
0xa0: {  	[sflag:s22] =	ssyncadd.s32 s3;
	_ =	sdelay $0x1  }
0xa1: {  	s23 =	simm.s32 $0x1B8B  }
0xa2: {  	_ =	swait.ge [sflag:s23], $0x1  }
0xa3: {  	[sflag:s23] =	ssyncset.done $0x0  }
0xa4: {  	s25 =	simm.s32 $0x1B8E;
	s24 =	sld [smem:$0x3FFE];
	[sflag:s23] =	ssyncadd.s32 $0xFFFFFFFF  }
0xa5: {  	s26 =	simm.s32 $execute0_lowered;
	[smem:$0x3FD2] =	sst s25  }
0xa6: {  	s4 =	sshll.u32 s26, $0x1;
	_ =	strace $0x80000049;
	[dreg:$0x1] =	wrdreg $0xFFFFFFFF  }
0xa7: {  	s28 =	simm.s32 $_size_execute0_lowered;
	s2 =	sadd.s32 s2, s4;
	[dreg:$0x0] =	wrdreg $0x0  }
0xa8: {  	s4 =	sshll.u32 s28, $0x1;
	[dreg:$0x2] =	wrdreg s2  }
0xa9: {  	[dreg:$0x3] =	wrdreg s4  }
0xaa: {  	[dreg:$0x4] =	wrdreg $0xC0  }
0xab: {  	_ =	task [dreg:s6], $0x5FFFF  }
0xac: {  	[dreg:$0x1] =	wrdreg $0xFFFFFFFF  }
0xad: {  	[dreg:$0x0] =	wrdreg $0x60  }
0xae: {  	[dreg:$0x2] =	wrdreg s24  }
0xaf: {  	[dreg:$0x3] =	wrdreg $0x0  }
0xb0: {  	[dreg:$0x4] =	wrdreg $0x9  }
0xb1: {  	_ =	task.clear_ibuf [dreg:s6], $0x5FFFF;
	_ =	strace $0x90000049  }
0xb2: {  	s29 =	simm.s32 $0x9;
	_ =	strace $0x8000004B  }
0xb3: {  	_ =	swait.ge [sflag:s29], $0x1  }
0xb4: {  	[sflag:s29] =	ssyncadd.s32 $0xFFFFFFFF  }
0xb5: {  	_ =	strace $0x9000004B  }
0xb6: {  	_ =	sfence  }
0xb7: {  	s30 =	sld [smem:$0x0];
	_ =	sdelay $0x2  }
0xb8: {  	s31 =	sshll.u32 s1, $0xD;
	s1 =	sshrl.u32 s1, $0x2  }
0xb9: {  	s3 =	sand.u32 $0x4000, s31;
	s1 =	sadd.s32 s1, s30  }
0xba: {  	s0 =	sor.u32 s3, s0;
	s1 =	sshll.u32 s1, $0x11  }
0xbb: {  	s0 =	sor.u32 s1, s0  }
0xbc: {  	s0 =	sadd.s32 $0x8F2B, s0  }
0xbd: {  	[sflag:s0] =	ssyncadd.remote.s32 $0x1  }
0xbe: {  	_ =	sfence.sel $0xFFFF  }
0xbf: {  	[dreg:$0x0] =	wrdreg $0xFFFFFFFF;
	(pc) =	sbr.abs _section_cstart, $3  }
0xc0: {  	[dreg:$0x1] =	wrdreg $0xFFFFFFFF  }
0xc1: {  	_ =	task.clear_ibuf [dreg:s6], $0x2FFFF;
	_ =	strace $0x9FFFFFFF  }
0xc2: {  	(tm) =	ssettm $0x7FFFFFFF  }
0xc3: {  	_ =	shalt  }
tec
execute0_lowered:
.L_overlay_start_1:
0x0: {  	(tag) =	ssettag $0x1  }
0x1: {  	s6 =	rddreg [dreg:$0x0]  }
0x2: {  	s0 =	stileid.u32;
	s1 =	srdreg.scid  }
0x3: {  	s2 =	rddreg [dreg:$0x1];
	s3 =	simm.s32 $0x0;
	s22 =	simm.s32 $0x14000  }
0x4: {  	s23 =	simm.s32 $0x14080;
	s24 =	simm.s32 $0x80;
	s25 =	simm.s32 $0x14100  }
0x5: {  	s26 =	simm.s32 $0x1;
	s28 =	simm.s32 $0x0;
	s5 =	smul.u32 $0xA00, s0  }
0x6: {  	s7 =	sand.u32 $0x1, s1;
	[smem:$0x7FF] =	sst s3;
	s9 =	smul.u32 $0x14000, s0  }
0x7: {  	s4 =	sadd.s32 $0x18800, s6;
	s29 =	smul.u32 $0x50000, s0;
	s31 =	sshll.u32 s0, $0x6  }
0x8: {  	s8 =	smul.u32 $0x140000, s7;
	_ =	strace $0x8000004A;
	s11 =	ssub.s32 $0x2, s7  }
0x9: {  	s7 =	smul.u32 $0x500, s7;
	s10 =	sadd.s32 s5, s6;
	s5 =	sadd.s32 $0xDC00, s6  }
0xa: {  	s30 =	sshrl.u32 s11, $0x1;
	s8 =	sadd.s32 s9, s8;
	s9 =	sshrl.u32 s29, $0x2  }
0xb: {  	s11 =	ssub.s32 s11, s30;
	s10 =	sadd.s32 s7, s10;
	s8 =	sshrl.u32 s8, $0x3  }
0xc: {  	s12 =	sadd.s32 s9, s2;
	s9 =	sadd.s32 $0x3C00, s10;
	s10 =	sadd.s32 $0xE800, s10  }
0xd: {  	s8 =	sadd.s32 s8, s6;
	s6 =	sor.u32 $0x1C02, s31;
	s13 =	sadd.s32 $0x2000, s12  }
0xe: {  	s14 =	sadd.s32 $0x4000, s12;
	s15 =	sadd.s32 $0x6000, s12;
	s16 =	sadd.s32 $0x8000, s12  }
0xf: {  	s17 =	sadd.s32 $0xA000, s12;
	s18 =	sadd.s32 $0xC000, s12;
	s19 =	sadd.s32 $0xE000, s12  }
0x10: {  	s20 =	sadd.s32 $0x10000, s12;
	s21 =	sadd.s32 $0x12000, s12;
	s7 =	sadd.s32 $0x3FA00, s8  }
0x11: {  	s8 =	smax.u32 s11, $0x1;
	s11 =	sshrl.u32 s12, $0x3;
	s12 =	simm.s32 $0x2  }
0x12: {  	s13 =	sshrl.u32 s13, $0x3;
	s14 =	sshrl.u32 s14, $0x3;
	s15 =	sshrl.u32 s15, $0x3  }
0x13: {  	s16 =	sshrl.u32 s16, $0x3;
	s17 =	sshrl.u32 s17, $0x3;
	s18 =	sshrl.u32 s18, $0x3  }
0x14: {  	s19 =	sshrl.u32 s19, $0x3;
	s20 =	sshrl.u32 s20, $0x3;
	s21 =	sshrl.u32 s21, $0x3  }
.LBB2_1:
0x15: {  	[spmem:s11], [sflag:s6] =	dma.local [hbm:s5], $0x400  }
0x16: {  	_ =	swait.ge [sflag:s12], $0x400  }
0x17: {  	[sflag:s12] =	ssyncset.done $0x0  }
0x18: {  	[sflag:s12] =	ssyncadd.s32 $0xFFFFFC00  }
0x19: {  	[spmem:s13], [sflag:s6] =	dma.local [hbm:s5], $0x400  }
0x1a: {  	_ =	swait.ge [sflag:s12], $0x400  }
0x1b: {  	[sflag:s12] =	ssyncset.done $0x0  }
0x1c: {  	[sflag:s12] =	ssyncadd.s32 $0xFFFFFC00  }
0x1d: {  	[spmem:s14], [sflag:s6] =	dma.local [hbm:s5], $0x400  }
0x1e: {  	_ =	swait.ge [sflag:s12], $0x400  }
0x1f: {  	[sflag:s12] =	ssyncset.done $0x0  }
0x20: {  	[sflag:s12] =	ssyncadd.s32 $0xFFFFFC00  }
0x21: {  	[spmem:s15], [sflag:s6] =	dma.local [hbm:s5], $0x400  }
0x22: {  	_ =	swait.ge [sflag:s12], $0x400  }
0x23: {  	[sflag:s12] =	ssyncset.done $0x0  }
0x24: {  	[sflag:s12] =	ssyncadd.s32 $0xFFFFFC00  }
0x25: {  	[spmem:s16], [sflag:s6] =	dma.local [hbm:s5], $0x400  }
0x26: {  	_ =	swait.ge [sflag:s12], $0x400  }
0x27: {  	[sflag:s12] =	ssyncset.done $0x0  }
0x28: {  	[sflag:s12] =	ssyncadd.s32 $0xFFFFFC00  }
0x29: {  	[spmem:s17], [sflag:s6] =	dma.local [hbm:s5], $0x400  }
0x2a: {  	_ =	swait.ge [sflag:s12], $0x400  }
0x2b: {  	[sflag:s12] =	ssyncset.done $0x0  }
0x2c: {  	[sflag:s12] =	ssyncadd.s32 $0xFFFFFC00  }
0x2d: {  	[spmem:s18], [sflag:s6] =	dma.local [hbm:s5], $0x400  }
0x2e: {  	_ =	swait.ge [sflag:s12], $0x400  }
0x2f: {  	[sflag:s12] =	ssyncset.done $0x0  }
0x30: {  	[sflag:s12] =	ssyncadd.s32 $0xFFFFFC00  }
0x31: {  	[spmem:s19], [sflag:s6] =	dma.local [hbm:s5], $0x400  }
0x32: {  	_ =	swait.ge [sflag:s12], $0x400  }
0x33: {  	[sflag:s12] =	ssyncset.done $0x0  }
0x34: {  	[sflag:s12] =	ssyncadd.s32 $0xFFFFFC00  }
0x35: {  	[spmem:s20], [sflag:s6] =	dma.local [hbm:s5], $0x400  }
0x36: {  	_ =	swait.ge [sflag:s12], $0x400  }
0x37: {  	[sflag:s12] =	ssyncset.done $0x0  }
0x38: {  	[sflag:s12] =	ssyncadd.s32 $0xFFFFFC00  }
0x39: {  	[spmem:s21], [sflag:s6] =	dma.local [hbm:s5], $0x400  }
0x3a: {  	_ =	swait.ge [sflag:s12], $0x400  }
0x3b: {  	[sflag:s12] =	ssyncset.done $0x0  }
0x3c: {  	[sflag:s12] =	ssyncadd.s32 $0xFFFFFC00  }
0x3d: {  	s29 =	sadd.s32 $0x0, s10;
	[bflag:$0x0] =	sbarrier.arrive $0xFFFF  }
0x3e: {  	[tilespmem:s22], [sflag:$0x2] =	stream.linear.gather [hbm4b:s29+s3], $0x80, $0x38;
	[tilespmem:$0x18100] =	vst v63  }
0x3f: {  	_ =	swait.ge [sflag:s12], $0x80  }
0x40: {  	[sflag:s12] =	ssyncset.done $0x0  }
0x41: {  	s29 =	sadd.s32 $0x0, s9;
	[sflag:s12] =	ssyncadd.s32 $0xFFFFFF80  }
0x42: {  	[tilespmem:s23], [sflag:$0x2] =	stream.linear.gather [hbm4b:s29+s3], $0x80, $0x38;
	[tilespmem:$0x18100] =	vst v63  }
0x43: {  	_ =	swait.ge [sflag:s12], $0x80  }
0x44: {  	[sflag:s12] =	ssyncset.done $0x0  }
0x45: {  	[sflag:s12] =	ssyncadd.s32 $0xFFFFFF80  }
0x46: {  	[tilespmem:s25], [sflag:$0x1] =	stream.indirect.gather [hbm4b:s4+s24], $0x80, s22, s24, $0xb8;
	[tilespmem:$0x18100] =	vst v63  }
0x47: {  	_ =	swait.ge [sflag:s26], $0x4000  }
0x48: {  	[sflag:s26] =	ssyncset.done $0x0  }
0x49: {  	[sflag:s26] =	ssyncadd.s32 $0xFFFFC000  }
0x4a: {  	[spmem:s2] =	stream.indirect.scatter.add.f32 [tilespmem:s25], [sflag:$0x2], $0x80, s23, s24, $0xb8;
	[tilespmem:$0x18100] =	vst v63  }
0x4b: {  	_ =	swait.ge [sflag:s12], $0x4000  }
0x4c: {  	s30 =	simm.s32 $0x20;
	s29 =	simm.s32 $0x10;
	[sflag:s12] =	ssyncset.done $0x0  }
.LBB2_2:
0x4d: {  	s31 =	sadd.s32 s29, s10  }
0x4e: {  	[sflag:s12] =	ssyncadd.s32 $0xFFFFC000;
	s1 =	smov.u32 s30;
	s0 =	sadd.s32 $0x10, s30  }
0x4f: {  	[tilespmem:s22], [sflag:$0x2] =	stream.linear.gather [hbm4b:s31+s3], $0x80, $0x38;
	[tilespmem:$0x18100] =	vst v63  }
0x50: {  	p0 =	sne.s32 s30, $0x4F0;
	_ =	swait.ge [sflag:s12], $0x80  }
0x51: {  	[sflag:s12] =	ssyncset.done $0x0  }
0x52: {  	s30 =	sadd.s32 s29, s9;
	s29 =	smov.u32 s1;
	[sflag:s12] =	ssyncadd.s32 $0xFFFFFF80  }
0x53: {  	[tilespmem:s23], [sflag:$0x2] =	stream.linear.gather [hbm4b:s30+s3], $0x80, $0x38;
	[tilespmem:$0x18100] =	vst v63  }
0x54: {  	_ =	swait.ge [sflag:s12], $0x80  }
0x55: {  	[sflag:s12] =	ssyncset.done $0x0  }
0x56: {  	[sflag:s12] =	ssyncadd.s32 $0xFFFFFF80  }
0x57: {  	[tilespmem:s25], [sflag:$0x1] =	stream.indirect.gather [hbm4b:s4+s24], $0x80, s22, s24, $0xb8;
	[tilespmem:$0x18100] =	vst v63  }
0x58: {  	_ =	swait.ge [sflag:s26], $0x4000  }
.Ltmp0:
0x59: {  	[sflag:s26] =	ssyncset.done $0x0;
	(pc) =	sbr.rel @p0 .LBB2_2-.Ltmp0, $4  }
0x5a: {  	[sflag:s26] =	ssyncadd.s32 $0xFFFFC000  }
0x5b: {  	[spmem:s2] =	stream.indirect.scatter.add.f32 [tilespmem:s25], [sflag:$0x2], $0x80, s23, s24, $0xb8;
	[tilespmem:$0x18100] =	vst v63  }
0x5c: {  	_ =	swait.ge [sflag:s12], $0x4000  }
0x5d: {  	s30 =	smov.u32 s0;
	[sflag:s12] =	ssyncset.done $0x0  }
0x5e: {  	s0 =	sadd.s32 s29, s10;
	[sflag:s12] =	ssyncadd.s32 $0xFFFFC000  }
0x5f: {  	[tilespmem:s22], [sflag:$0x2] =	stream.linear.gather [hbm4b:s0+s3], $0x80, $0x38;
	[tilespmem:$0x18100] =	vst v63  }
0x60: {  	_ =	swait.ge [sflag:s12], $0x80  }
0x61: {  	[sflag:s12] =	ssyncset.done $0x0  }
0x62: {  	s31 =	sadd.s32 s29, s9;
	[sflag:s12] =	ssyncadd.s32 $0xFFFFFF80  }
0x63: {  	[tilespmem:s23], [sflag:$0x2] =	stream.linear.gather [hbm4b:s31+s3], $0x80, $0x38;
	[tilespmem:$0x18100] =	vst v63  }
0x64: {  	_ =	swait.ge [sflag:s12], $0x80  }
0x65: {  	[sflag:s12] =	ssyncset.done $0x0  }
0x66: {  	[sflag:s12] =	ssyncadd.s32 $0xFFFFFF80  }
0x67: {  	[tilespmem:s25], [sflag:$0x1] =	stream.indirect.gather [hbm4b:s4+s24], $0x80, s22, s24, $0xb8;
	[tilespmem:$0x18100] =	vst v63  }
0x68: {  	_ =	swait.ge [sflag:s26], $0x4000  }
0x69: {  	[sflag:s26] =	ssyncset.done $0x0  }
0x6a: {  	[sflag:s26] =	ssyncadd.s32 $0xFFFFC000  }
0x6b: {  	[spmem:s2] =	stream.indirect.scatter.add.f32 [tilespmem:s25], [sflag:$0x2], $0x80, s23, s24, $0xb8;
	[tilespmem:$0x18100] =	vst v63  }
0x6c: {  	_ =	swait.ge [sflag:s12], $0x4000  }
0x6d: {  	s28 =	sadd.s32 $0x1, s28;
	[sflag:s12] =	ssyncset.done $0x0  }
0x6e: {  	p0 =	sne.s32 s28, s8;
	[sflag:s12] =	ssyncadd.s32 $0xFFFFC000  }
.Ltmp1:
0x6f: {  	[bflag:$0x0] =	sbarrier.arrive $0xFFFF;
	(pc) =	sbr.rel @p0 .LBB2_1-.Ltmp1, $4  }
0x70: {  	[hbm:s7], [sflag:s6] =	dma.local [spmem:s11], $0x2800  }
0x71: {  	_ =	swait.ge [sflag:s12], $0x2800  }
0x72: {  	[sflag:s12] =	ssyncset.done $0x0  }
0x73: {  	[sflag:s12] =	ssyncadd.s32 $0xFFFFD800  }
0x74: {  	_ =	sfence.sel $0x180000  }
0x75: {  	[bflag:$0x0] =	sbarrier.arrive $0xFFFF  }
0x76: {  	_ =	strace $0x9000004A  }
0x77: {  	s0 =	stileid.u32;
	[bflag:$0x2] =	sbarrier.arrive $0xFFFF  }
0x78: {  	p0 =	sne.s32 s0, $0x0;
	s0 =	rddreg [dreg:$0x2]  }
0x79: {  	s0 =	sadd.s32 @!p0 $0x100000, s0  }
0x7a: {  	[sflag:s0] =	ssyncadd.tile.s32 @!p0 $0x1;
	_ =	shalt  }
.Lfunc_end2:
_tile_overlayer_lowered:
.L_overlay_start_2:
0x7b: {  	(tag) =	ssettag $0x2  }
0x7c: {  	s0 =	rddreg [dreg:$0x0];
	s2 =	stileid.u32  }
0x7d: {  	s1 =	rddreg [dreg:$0x1];
	p0 =	sne.s32 s2, $0x0  }
0x7e: {  	s3 =	rddreg [dreg:$0x2];
	[bflag:$0x3] =	sbarrier.arrive $0xFFFF;
	s2 =	simm.s32 @!p0 $0x1C02  }
0x7f: {  	[timem:s3], [sflag:s2] =	dma.local @!p0 [hbm:s0], s1  }
0x80: {  	s0 =	simm.s32 @!p0 $0x2  }
0x81: {  	_ =	swait.ge @!p0 [sflag:s0], s1  }
0x82: {  	s1 =	ssub.s32 @!p0 $0x0, s1;
	[sflag:s0] =	ssyncset.done @!p0 $0x0  }
0x83: {  	[sflag:s0] =	ssyncadd.s32 @!p0 s1  }
0x84: {  	[bflag:$0x3] =	sbarrier.arrive $0xFFFF  }
0x85: {  	_ =	shalt  }

// kernel: kernel.16.cloned.1.call-start
scs
__scs_entry_jumppad:
0x0: {  	(pc) =	sbr.rel $0x88, $3  }
0x1: {  	(tag) =	ssettag $0x0;
	lr =	simm.s32 $0x1  }
0x2: {  	[smem:$0x3F94] =	sst lr;
	_ =	strace $0xD0000000  }
0x3: {  	_ = 	snop  }
0x4: {  	_ = 	snop  }
0x5: {  	_ = 	snop  }
0x6: {  	_ = 	snop  }
0x7: {  	_ = 	snop  }
__scs_overlays_trampoline_lowered:
0x8: {  	[smem:$0x3FA3] =	sst s0  }
0x9: {  	[smem:$0x3FA4] =	sst s1  }
0xa: {  	[smem:$0x3FA5] =	sst s2  }
0xb: {  	[smem:$0x3FA6] =	sst s3  }
0xc: {  	[smem:$0x3FA7] =	sst s4  }
0xd: {  	[smem:$0x3FA8] =	sst s5  }
0xe: {  	[smem:$0x3FA9] =	sst s6  }
0xf: {  	[smem:$0x3FAA] =	sst s7  }
0x10: {  	[smem:$0x3FAB] =	sst s8  }
0x11: {  	[smem:$0x3FAC] =	sst s9;
	s0 =	simm.s32 @!p0 $0x0  }
0x12: {  	s1 =	sld [smem:$0x3F92];
	s0 =	simm.s32 @p0 $0x1  }
0x13: {  	[smem:$0x3FAD] =	sst s0;
	s0 =	simm.s32 @!p1 $0x0  }
0x14: {  	s2 =	sld [smem:$0x3F91];
	s0 =	simm.s32 @p1 $0x1  }
0x15: {  	[smem:$0x3FAE] =	sst s0;
	s0 =	simm.s32 @!p2 $0x0  }
0x16: {  	s3 =	sld [smem:$0x3FDB];
	s0 =	simm.s32 @p2 $0x1  }
0x17: {  	s4 =	simm.s32 $0x1BF5;
	[smem:$0x3FB0] =	sst s0  }
0x18: {  	s0 =	sld [smem:$0x3F93];
	_ =	swait.ge [sflag:s4], $0x0  }
0x19: {  	s7 =	sld [smem:$0x3F94]  }
0x1a: {  	s8 =	sadd.s32 $0xFFFFE003, lr  }
0x1b: {  	s9 =	sadd.s32 $0xFFFFFEF7, lr;
	s5 =	simm.s32 $0xFFFFFFFF;
	p2 =	slt.u32 s8, $0xFFFFF086  }
0x1c: {  	p1 =	slt.u32 s9, $0xF7A;
	s5 =	simm.s32 @!p2 $0x0  }
0x1d: {  	s5 =	simm.s32 @p1 $0x1;
	p0 =	seq.s32 s7, s2  }
0x1e: {  	s7 =	smul.u32 @!p0 $0xF7A, s2;
	p2 =	seq.s32 @!p0 s5, $0x0  }
0x1f: {  	s9 =	smul.u32 $0xF7A, s1;
	s8 =	simm.s32 @!p0 $0x1BF5;
	p2 =	por !p2, p0  }
0x20: {  	[sflag:s8] =	ssyncset.s32 @!p0 $0xFFFFF086;
	s6 =	sadd.s32 @!p0 s3, s7;
	s7 =	simm.s32 @!p0 $0x108  }
0x21: {  	s3 =	sadd.s32 s3, s9;
	s6 =	sadd.s32 @!p0 $0x88, s6;
	s7 =	simm.s32 @p2 $0x1082  }
0x22: {  	[simem:s7], [sflag:s8] =	dma.local @!p0 [hbm:s6], $0xF7A  }
0x23: {  	s9 =	sor.u32 $0xD0000000, s2;
	s6 =	simm.s32 $0x108;
	_ =	swait.ge @!p0 [sflag:s8], $0x0  }
0x24: {  	s3 =	sadd.s32 $0x88, s3;
	s6 =	simm.s32 @!p1 $0x1082;
	[sflag:s4] =	ssyncset.s32 $0xFFFFF086  }
0x25: {  	[simem:s6], [sflag:s4] =	dma.local [hbm:s3], $0xF7A  }
0x26: {  	[smem:$0x3F94] =	sst s1;
	(tag) =	ssettag s2;
	_ =	strace s9  }
0x27: {  	s1 =	sld [smem:$0x3FA4]  }
0x28: {  	s2 =	sld [smem:$0x3FA5]  }
0x29: {  	s4 =	sld [smem:$0x3FA7]  }
0x2a: {  	p0 =	seq.s32 s5, $0x0;
	s5 =	sld [smem:$0x3FA8]  }
0x2b: {  	s6 =	sld [smem:$0x3FA9]  }
0x2c: {  	s7 =	sld [smem:$0x3FAA]  }
0x2d: {  	s3 =	simm.s32 $0x108;
	s8 =	sld [smem:$0x3FAB]  }
0x2e: {  	s3 =	simm.s32 @!p0 $0x1082;
	s9 =	sld [smem:$0x3FAC]  }
0x2f: {  	lr =	sadd.s32 s0, s3;
	s0 =	sld [smem:$0x3FA3]  }
0x30: {  	s3 =	sld [smem:$0x3FA6]  }
0x31: {  	[smem:$0x3FAF] =	sst s10  }
0x32: {  	s10 =	sld [smem:$0x3FAD];
	_ =	sdelay $0x3  }
0x33: {  	p0 =	seq.s32 s10, $0x1;
	s10 =	sld [smem:$0x3FAF];
	_ =	sdelay $0x3  }
0x34: {  	[smem:$0x3FAF] =	sst s10  }
0x35: {  	s10 =	sld [smem:$0x3FAE];
	_ =	sdelay $0x3  }
0x36: {  	p1 =	seq.s32 s10, $0x1;
	s10 =	sld [smem:$0x3FAF];
	_ =	sdelay $0x3  }
0x37: {  	[smem:$0x3FAF] =	sst s10  }
0x38: {  	s10 =	sld [smem:$0x3FB0]  }
0x39: {  	_ = 	snop;
	(pc) =	sbr.ind lr, $3  }
0x3a: {  	_ = 	snop  }
0x3b: {  	_ = 	snop  }
0x3c: {  	p2 =	seq.s32 s10, $0x1;
	s10 =	sld [smem:$0x3FAF]  }
0x3d: {  	_ =	shalt  }
0x3e: {  	_ =	shalt  }
0x3f: {  	_ =	shalt  }
0x40: {  	_ =	shalt  }
0x41: {  	_ =	shalt  }
0x42: {  	_ =	shalt  }
0x43: {  	_ =	shalt  }
0x44: {  	_ =	shalt  }
0x45: {  	_ =	shalt  }
0x46: {  	_ =	shalt  }
0x47: {  	_ =	shalt  }
0x48: {  	_ =	shalt  }
0x49: {  	_ =	shalt  }
0x4a: {  	_ =	shalt  }
0x4b: {  	_ =	shalt  }
0x4c: {  	_ =	shalt  }
0x4d: {  	_ =	shalt  }
0x4e: {  	_ =	shalt  }
0x4f: {  	_ =	shalt  }
0x50: {  	_ =	shalt  }
0x51: {  	_ =	shalt  }
0x52: {  	_ =	shalt  }
0x53: {  	_ =	shalt  }
0x54: {  	_ =	shalt  }
0x55: {  	_ =	shalt  }
0x56: {  	_ =	shalt  }
0x57: {  	_ =	shalt  }
0x58: {  	_ =	shalt  }
0x59: {  	_ =	shalt  }
0x5a: {  	_ =	shalt  }
0x5b: {  	_ =	shalt  }
0x5c: {  	_ =	shalt  }
0x5d: {  	_ =	shalt  }
0x5e: {  	_ =	shalt  }
0x5f: {  	_ =	shalt  }
0x60: {  	_ =	shalt  }
0x61: {  	_ =	shalt  }
0x62: {  	_ =	shalt  }
0x63: {  	_ =	shalt  }
0x64: {  	_ =	shalt  }
0x65: {  	_ =	shalt  }
0x66: {  	_ =	shalt  }
0x67: {  	_ =	shalt  }
0x68: {  	_ =	shalt  }
0x69: {  	_ =	shalt  }
0x6a: {  	_ =	shalt  }
0x6b: {  	_ =	shalt  }
0x6c: {  	_ =	shalt  }
0x6d: {  	_ =	shalt  }
0x6e: {  	_ =	shalt  }
0x6f: {  	_ =	shalt  }
0x70: {  	_ =	shalt  }
0x71: {  	_ =	shalt  }
0x72: {  	_ =	shalt  }
0x73: {  	_ =	shalt  }
0x74: {  	_ =	shalt  }
0x75: {  	_ =	shalt  }
0x76: {  	_ =	shalt  }
0x77: {  	_ =	shalt  }
0x78: {  	_ =	shalt  }
0x79: {  	_ =	shalt  }
0x7a: {  	_ =	shalt  }
0x7b: {  	_ =	shalt  }
0x7c: {  	_ =	shalt  }
0x7d: {  	_ =	shalt  }
0x7e: {  	_ =	shalt  }
0x7f: {  	_ =	shalt  }
0x80: {  	_ =	shalt  }
0x81: {  	_ =	shalt  }
0x82: {  	_ =	shalt  }
0x83: {  	_ =	shalt  }
0x84: {  	_ =	shalt  }
0x85: {  	_ =	shalt  }
0x86: {  	_ =	shalt  }
0x87: {  	_ =	shalt  }
.Lfunc_end0:
.L_simem_size_0:
called_computation.2_lowered:
.L_overlay_start_0:
0x88: {  	s2 =	sld [smem:$0x3FD9]  }
0x89: {  	s3 =	sld [smem:$0x3FFE];
	_ =	sdelay $0x1  }
0x8a: {  	s1 =	srdreg.scid  }
0x8b: {  	s0 =	sand.u32 $0x1, s1  }
0x8c: {  	s16 =	sshll.u32 s0, $0xA;
	s2 =	sadd.s32 s3, s2  }
0x8d: {  	s2 =	sadd.s32 s2, s16  }
0x8e: {  	[smem:$0x3FBB] =	sst s2  }
0x8f: {  	_ = 	snop  }
0x90: {  	(tm) =	ssettm $0x1  }
0x91: {  	s17 =	sld [smem:$0x3FFB];
	_ =	sdelay $0x3  }
0x92: {  	_ =	strace s17  }
0x93: {  	s2 =	sld [smem:$0x3FFC];
	_ =	sdelay $0x3  }
0x94: {  	_ =	strace s2  }
0x95: {  	s2 =	sld [smem:$0x3FFD];
	_ =	sdelay $0x3  }
0x96: {  	_ =	strace s2  }
0x97: {  	_ =	strace $0x8FFFFFFF  }
0x98: {  	s18 =	sld [smem:$0x3FDB];
	_ =	sdelay $0x1  }
0x99: {  	s19 =	simm.s32 $_scs_section_size  }
0x9a: {  	s4 =	simm.s32 $_size__tile_overlayer_lowered;
	s5 =	simm.s32 $_tile_overlayer_lowered  }
0x9b: {  	s22 =	simm.s32 $0x1BFF;
	s21 =	sshll.u32 s5, $0x1;
	s2 =	sadd.s32 s19, s18  }
0x9c: {  	s6 =	simm.s32 $0x0;
	s20 =	sshll.u32 s4, $0x1;
	s4 =	sadd.s32 s21, s2  }
0x9d: {  	[timem:s6], [sflag:s22] =	dma.local [hbm:s4], s20  }
0x9e: {  	_ =	swait.ge [sflag:s22], s20  }
0x9f: {  	s3 =	ssub.s32 $0x0, s20;
	[sflag:s22] =	ssyncset.done $0x0  }
0xa0: {  	[sflag:s22] =	ssyncadd.s32 s3;
	_ =	sdelay $0x1  }
0xa1: {  	s23 =	simm.s32 $0x1B8B  }
0xa2: {  	_ =	swait.ge [sflag:s23], $0x1  }
0xa3: {  	[sflag:s23] =	ssyncset.done $0x0  }
0xa4: {  	s25 =	simm.s32 $0x1B8E;
	s24 =	sld [smem:$0x3FFE];
	[sflag:s23] =	ssyncadd.s32 $0xFFFFFFFF  }
0xa5: {  	s26 =	simm.s32 $execute0_lowered;
	[smem:$0x3FD2] =	sst s25  }
0xa6: {  	s4 =	sshll.u32 s26, $0x1;
	_ =	strace $0x8000004C;
	[dreg:$0x1] =	wrdreg $0xFFFFFFFF  }
0xa7: {  	s28 =	simm.s32 $_size_execute0_lowered;
	s2 =	sadd.s32 s2, s4;
	[dreg:$0x0] =	wrdreg $0x0  }
0xa8: {  	s4 =	sshll.u32 s28, $0x1;
	[dreg:$0x2] =	wrdreg s2  }
0xa9: {  	[dreg:$0x3] =	wrdreg s4  }
0xaa: {  	[dreg:$0x4] =	wrdreg $0xC0  }
0xab: {  	_ =	task [dreg:s6], $0x5FFFF  }
0xac: {  	[dreg:$0x1] =	wrdreg $0xFFFFFFFF  }
0xad: {  	[dreg:$0x0] =	wrdreg $0x60  }
0xae: {  	[dreg:$0x2] =	wrdreg s24  }
0xaf: {  	[dreg:$0x3] =	wrdreg $0x0  }
0xb0: {  	[dreg:$0x4] =	wrdreg $0x9  }
0xb1: {  	_ =	task.clear_ibuf [dreg:s6], $0x5FFFF;
	_ =	strace $0x9000004C  }
0xb2: {  	s29 =	simm.s32 $0x9;
	_ =	strace $0x8000004E  }
0xb3: {  	_ =	swait.ge [sflag:s29], $0x1  }
0xb4: {  	[sflag:s29] =	ssyncadd.s32 $0xFFFFFFFF  }
0xb5: {  	_ =	strace $0x9000004E  }
0xb6: {  	_ =	sfence  }
0xb7: {  	s30 =	sld [smem:$0x0];
	_ =	sdelay $0x2  }
0xb8: {  	s31 =	sshll.u32 s1, $0xD;
	s1 =	sshrl.u32 s1, $0x2  }
0xb9: {  	s3 =	sand.u32 $0x4000, s31;
	s1 =	sadd.s32 s1, s30  }
0xba: {  	s0 =	sor.u32 s3, s0;
	s1 =	sshll.u32 s1, $0x11  }
0xbb: {  	s0 =	sor.u32 s1, s0  }
0xbc: {  	s0 =	sadd.s32 $0x8F2B, s0  }
0xbd: {  	[sflag:s0] =	ssyncadd.remote.s32 $0x1  }
0xbe: {  	_ =	sfence.sel $0xFFFF  }
0xbf: {  	[dreg:$0x0] =	wrdreg $0xFFFFFFFF;
	(pc) =	sbr.abs _section_cstart, $3  }
0xc0: {  	[dreg:$0x1] =	wrdreg $0xFFFFFFFF  }
0xc1: {  	_ =	task.clear_ibuf [dreg:s6], $0x2FFFF;
	_ =	strace $0x9FFFFFFF  }
0xc2: {  	(tm) =	ssettm $0x7FFFFFFF  }
0xc3: {  	_ =	shalt  }
tec
execute0_lowered:
.L_overlay_start_1:
0x0: {  	(tag) =	ssettag $0x1  }
0x1: {  	s6 =	rddreg [dreg:$0x0]  }
0x2: {  	s0 =	stileid.u32;
	s1 =	srdreg.scid  }
0x3: {  	s2 =	rddreg [dreg:$0x1];
	s3 =	simm.s32 $0x0;
	s22 =	simm.s32 $0x14000  }
0x4: {  	s23 =	simm.s32 $0x14080;
	s24 =	simm.s32 $0x80;
	s25 =	simm.s32 $0x14100  }
0x5: {  	s26 =	simm.s32 $0x1;
	s28 =	simm.s32 $0x0;
	s5 =	smul.u32 $0xA00, s0  }
0x6: {  	s7 =	sand.u32 $0x1, s1;
	[smem:$0x7FF] =	sst s3;
	s9 =	smul.u32 $0x14000, s0  }
0x7: {  	s4 =	sadd.s32 $0x18800, s6;
	s29 =	smul.u32 $0x50000, s0;
	s31 =	sshll.u32 s0, $0x6  }
0x8: {  	s8 =	smul.u32 $0x140000, s7;
	_ =	strace $0x8000004D;
	s11 =	ssub.s32 $0x2, s7  }
0x9: {  	s7 =	smul.u32 $0x500, s7;
	s10 =	sadd.s32 s5, s6;
	s5 =	sadd.s32 $0xDC00, s6  }
0xa: {  	s30 =	sshrl.u32 s11, $0x1;
	s8 =	sadd.s32 s9, s8;
	s9 =	sshrl.u32 s29, $0x2  }
0xb: {  	s11 =	ssub.s32 s11, s30;
	s10 =	sadd.s32 s7, s10;
	s8 =	sshrl.u32 s8, $0x3  }
0xc: {  	s12 =	sadd.s32 s9, s2;
	s9 =	sadd.s32 $0x3C00, s10;
	s10 =	sadd.s32 $0xE800, s10  }
0xd: {  	s8 =	sadd.s32 s8, s6;
	s6 =	sor.u32 $0x1C02, s31;
	s13 =	sadd.s32 $0x2000, s12  }
0xe: {  	s14 =	sadd.s32 $0x4000, s12;
	s15 =	sadd.s32 $0x6000, s12;
	s16 =	sadd.s32 $0x8000, s12  }
0xf: {  	s17 =	sadd.s32 $0xA000, s12;
	s18 =	sadd.s32 $0xC000, s12;
	s19 =	sadd.s32 $0xE000, s12  }
0x10: {  	s20 =	sadd.s32 $0x10000, s12;
	s21 =	sadd.s32 $0x12000, s12;
	s7 =	sadd.s32 $0x3FA00, s8  }
0x11: {  	s8 =	smax.u32 s11, $0x1;
	s11 =	sshrl.u32 s12, $0x3;
	s12 =	simm.s32 $0x2  }
0x12: {  	s13 =	sshrl.u32 s13, $0x3;
	s14 =	sshrl.u32 s14, $0x3;
	s15 =	sshrl.u32 s15, $0x3  }
0x13: {  	s16 =	sshrl.u32 s16, $0x3;
	s17 =	sshrl.u32 s17, $0x3;
	s18 =	sshrl.u32 s18, $0x3  }
0x14: {  	s19 =	sshrl.u32 s19, $0x3;
	s20 =	sshrl.u32 s20, $0x3;
	s21 =	sshrl.u32 s21, $0x3  }
.LBB2_1:
0x15: {  	[spmem:s11], [sflag:s6] =	dma.local [hbm:s5], $0x400  }
0x16: {  	_ =	swait.ge [sflag:s12], $0x400  }
0x17: {  	[sflag:s12] =	ssyncset.done $0x0  }
0x18: {  	[sflag:s12] =	ssyncadd.s32 $0xFFFFFC00  }
0x19: {  	[spmem:s13], [sflag:s6] =	dma.local [hbm:s5], $0x400  }
0x1a: {  	_ =	swait.ge [sflag:s12], $0x400  }
0x1b: {  	[sflag:s12] =	ssyncset.done $0x0  }
0x1c: {  	[sflag:s12] =	ssyncadd.s32 $0xFFFFFC00  }
0x1d: {  	[spmem:s14], [sflag:s6] =	dma.local [hbm:s5], $0x400  }
0x1e: {  	_ =	swait.ge [sflag:s12], $0x400  }
0x1f: {  	[sflag:s12] =	ssyncset.done $0x0  }
0x20: {  	[sflag:s12] =	ssyncadd.s32 $0xFFFFFC00  }
0x21: {  	[spmem:s15], [sflag:s6] =	dma.local [hbm:s5], $0x400  }
0x22: {  	_ =	swait.ge [sflag:s12], $0x400  }
0x23: {  	[sflag:s12] =	ssyncset.done $0x0  }
0x24: {  	[sflag:s12] =	ssyncadd.s32 $0xFFFFFC00  }
0x25: {  	[spmem:s16], [sflag:s6] =	dma.local [hbm:s5], $0x400  }
0x26: {  	_ =	swait.ge [sflag:s12], $0x400  }
0x27: {  	[sflag:s12] =	ssyncset.done $0x0  }
0x28: {  	[sflag:s12] =	ssyncadd.s32 $0xFFFFFC00  }
0x29: {  	[spmem:s17], [sflag:s6] =	dma.local [hbm:s5], $0x400  }
0x2a: {  	_ =	swait.ge [sflag:s12], $0x400  }
0x2b: {  	[sflag:s12] =	ssyncset.done $0x0  }
0x2c: {  	[sflag:s12] =	ssyncadd.s32 $0xFFFFFC00  }
0x2d: {  	[spmem:s18], [sflag:s6] =	dma.local [hbm:s5], $0x400  }
0x2e: {  	_ =	swait.ge [sflag:s12], $0x400  }
0x2f: {  	[sflag:s12] =	ssyncset.done $0x0  }
0x30: {  	[sflag:s12] =	ssyncadd.s32 $0xFFFFFC00  }
0x31: {  	[spmem:s19], [sflag:s6] =	dma.local [hbm:s5], $0x400  }
0x32: {  	_ =	swait.ge [sflag:s12], $0x400  }
0x33: {  	[sflag:s12] =	ssyncset.done $0x0  }
0x34: {  	[sflag:s12] =	ssyncadd.s32 $0xFFFFFC00  }
0x35: {  	[spmem:s20], [sflag:s6] =	dma.local [hbm:s5], $0x400  }
0x36: {  	_ =	swait.ge [sflag:s12], $0x400  }
0x37: {  	[sflag:s12] =	ssyncset.done $0x0  }
0x38: {  	[sflag:s12] =	ssyncadd.s32 $0xFFFFFC00  }
0x39: {  	[spmem:s21], [sflag:s6] =	dma.local [hbm:s5], $0x400  }
0x3a: {  	_ =	swait.ge [sflag:s12], $0x400  }
0x3b: {  	[sflag:s12] =	ssyncset.done $0x0  }
0x3c: {  	[sflag:s12] =	ssyncadd.s32 $0xFFFFFC00  }
0x3d: {  	s29 =	sadd.s32 $0x0, s10;
	[bflag:$0x0] =	sbarrier.arrive $0xFFFF  }
0x3e: {  	[tilespmem:s22], [sflag:$0x2] =	stream.linear.gather [hbm4b:s29+s3], $0x80, $0x38;
	[tilespmem:$0x18100] =	vst v63  }
0x3f: {  	_ =	swait.ge [sflag:s12], $0x80  }
0x40: {  	[sflag:s12] =	ssyncset.done $0x0  }
0x41: {  	s29 =	sadd.s32 $0x0, s9;
	[sflag:s12] =	ssyncadd.s32 $0xFFFFFF80  }
0x42: {  	[tilespmem:s23], [sflag:$0x2] =	stream.linear.gather [hbm4b:s29+s3], $0x80, $0x38;
	[tilespmem:$0x18100] =	vst v63  }
0x43: {  	_ =	swait.ge [sflag:s12], $0x80  }
0x44: {  	[sflag:s12] =	ssyncset.done $0x0  }
0x45: {  	[sflag:s12] =	ssyncadd.s32 $0xFFFFFF80  }
0x46: {  	[tilespmem:s25], [sflag:$0x1] =	stream.indirect.gather [hbm4b:s4+s24], $0x80, s22, s24, $0xb8;
	[tilespmem:$0x18100] =	vst v63  }
0x47: {  	_ =	swait.ge [sflag:s26], $0x4000  }
0x48: {  	[sflag:s26] =	ssyncset.done $0x0  }
0x49: {  	[sflag:s26] =	ssyncadd.s32 $0xFFFFC000  }
0x4a: {  	[spmem:s2] =	stream.indirect.scatter.add.f32 [tilespmem:s25], [sflag:$0x2], $0x80, s23, s24, $0xb8;
	[tilespmem:$0x18100] =	vst v63  }
0x4b: {  	_ =	swait.ge [sflag:s12], $0x4000  }
0x4c: {  	s30 =	simm.s32 $0x20;
	s29 =	simm.s32 $0x10;
	[sflag:s12] =	ssyncset.done $0x0  }
.LBB2_2:
0x4d: {  	s31 =	sadd.s32 s29, s10  }
0x4e: {  	[sflag:s12] =	ssyncadd.s32 $0xFFFFC000;
	s1 =	smov.u32 s30;
	s0 =	sadd.s32 $0x10, s30  }
0x4f: {  	[tilespmem:s22], [sflag:$0x2] =	stream.linear.gather [hbm4b:s31+s3], $0x80, $0x38;
	[tilespmem:$0x18100] =	vst v63  }
0x50: {  	p0 =	sne.s32 s30, $0x4F0;
	_ =	swait.ge [sflag:s12], $0x80  }
0x51: {  	[sflag:s12] =	ssyncset.done $0x0  }
0x52: {  	s30 =	sadd.s32 s29, s9;
	s29 =	smov.u32 s1;
	[sflag:s12] =	ssyncadd.s32 $0xFFFFFF80  }
0x53: {  	[tilespmem:s23], [sflag:$0x2] =	stream.linear.gather [hbm4b:s30+s3], $0x80, $0x38;
	[tilespmem:$0x18100] =	vst v63  }
0x54: {  	_ =	swait.ge [sflag:s12], $0x80  }
0x55: {  	[sflag:s12] =	ssyncset.done $0x0  }
0x56: {  	[sflag:s12] =	ssyncadd.s32 $0xFFFFFF80  }
0x57: {  	[tilespmem:s25], [sflag:$0x1] =	stream.indirect.gather [hbm4b:s4+s24], $0x80, s22, s24, $0xb8;
	[tilespmem:$0x18100] =	vst v63  }
0x58: {  	_ =	swait.ge [sflag:s26], $0x4000  }
.Ltmp0:
0x59: {  	[sflag:s26] =	ssyncset.done $0x0;
	(pc) =	sbr.rel @p0 .LBB2_2-.Ltmp0, $4  }
0x5a: {  	[sflag:s26] =	ssyncadd.s32 $0xFFFFC000  }
0x5b: {  	[spmem:s2] =	stream.indirect.scatter.add.f32 [tilespmem:s25], [sflag:$0x2], $0x80, s23, s24, $0xb8;
	[tilespmem:$0x18100] =	vst v63  }
0x5c: {  	_ =	swait.ge [sflag:s12], $0x4000  }
0x5d: {  	s30 =	smov.u32 s0;
	[sflag:s12] =	ssyncset.done $0x0  }
0x5e: {  	s0 =	sadd.s32 s29, s10;
	[sflag:s12] =	ssyncadd.s32 $0xFFFFC000  }
0x5f: {  	[tilespmem:s22], [sflag:$0x2] =	stream.linear.gather [hbm4b:s0+s3], $0x80, $0x38;
	[tilespmem:$0x18100] =	vst v63  }
0x60: {  	_ =	swait.ge [sflag:s12], $0x80  }
0x61: {  	[sflag:s12] =	ssyncset.done $0x0  }
0x62: {  	s31 =	sadd.s32 s29, s9;
	[sflag:s12] =	ssyncadd.s32 $0xFFFFFF80  }
0x63: {  	[tilespmem:s23], [sflag:$0x2] =	stream.linear.gather [hbm4b:s31+s3], $0x80, $0x38;
	[tilespmem:$0x18100] =	vst v63  }
0x64: {  	_ =	swait.ge [sflag:s12], $0x80  }
0x65: {  	[sflag:s12] =	ssyncset.done $0x0  }
0x66: {  	[sflag:s12] =	ssyncadd.s32 $0xFFFFFF80  }
0x67: {  	[tilespmem:s25], [sflag:$0x1] =	stream.indirect.gather [hbm4b:s4+s24], $0x80, s22, s24, $0xb8;
	[tilespmem:$0x18100] =	vst v63  }
0x68: {  	_ =	swait.ge [sflag:s26], $0x4000  }
0x69: {  	[sflag:s26] =	ssyncset.done $0x0  }
0x6a: {  	[sflag:s26] =	ssyncadd.s32 $0xFFFFC000  }
0x6b: {  	[spmem:s2] =	stream.indirect.scatter.add.f32 [tilespmem:s25], [sflag:$0x2], $0x80, s23, s24, $0xb8;
	[tilespmem:$0x18100] =	vst v63  }
0x6c: {  	_ =	swait.ge [sflag:s12], $0x4000  }
0x6d: {  	s28 =	sadd.s32 $0x1, s28;
	[sflag:s12] =	ssyncset.done $0x0  }
0x6e: {  	p0 =	sne.s32 s28, s8;
	[sflag:s12] =	ssyncadd.s32 $0xFFFFC000  }
.Ltmp1:
0x6f: {  	[bflag:$0x0] =	sbarrier.arrive $0xFFFF;
	(pc) =	sbr.rel @p0 .LBB2_1-.Ltmp1, $4  }
0x70: {  	[hbm:s7], [sflag:s6] =	dma.local [spmem:s11], $0x2800  }
0x71: {  	_ =	swait.ge [sflag:s12], $0x2800  }
0x72: {  	[sflag:s12] =	ssyncset.done $0x0  }
0x73: {  	[sflag:s12] =	ssyncadd.s32 $0xFFFFD800  }
0x74: {  	_ =	sfence.sel $0x180000  }
0x75: {  	[bflag:$0x0] =	sbarrier.arrive $0xFFFF  }
0x76: {  	_ =	strace $0x9000004D  }
0x77: {  	s0 =	stileid.u32;
	[bflag:$0x2] =	sbarrier.arrive $0xFFFF  }
0x78: {  	p0 =	sne.s32 s0, $0x0;
	s0 =	rddreg [dreg:$0x2]  }
0x79: {  	s0 =	sadd.s32 @!p0 $0x100000, s0  }
0x7a: {  	[sflag:s0] =	ssyncadd.tile.s32 @!p0 $0x1;
	_ =	shalt  }
.Lfunc_end2:
_tile_overlayer_lowered:
.L_overlay_start_2:
0x7b: {  	(tag) =	ssettag $0x2  }
0x7c: {  	s0 =	rddreg [dreg:$0x0];
	s2 =	stileid.u32  }
0x7d: {  	s1 =	rddreg [dreg:$0x1];
	p0 =	sne.s32 s2, $0x0  }
0x7e: {  	s3 =	rddreg [dreg:$0x2];
	[bflag:$0x3] =	sbarrier.arrive $0xFFFF;
	s2 =	simm.s32 @!p0 $0x1C02  }
0x7f: {  	[timem:s3], [sflag:s2] =	dma.local @!p0 [hbm:s0], s1  }
0x80: {  	s0 =	simm.s32 @!p0 $0x2  }
0x81: {  	_ =	swait.ge @!p0 [sflag:s0], s1  }
0x82: {  	s1 =	ssub.s32 @!p0 $0x0, s1;
	[sflag:s0] =	ssyncset.done @!p0 $0x0  }
0x83: {  	[sflag:s0] =	ssyncadd.s32 @!p0 s1  }
0x84: {  	[bflag:$0x3] =	sbarrier.arrive $0xFFFF  }
0x85: {  	_ =	shalt  }

// kernel: kernel.19.cloned.1.call-start
scs
__scs_entry_jumppad:
0x0: {  	(pc) =	sbr.rel $0x88, $3  }
0x1: {  	(tag) =	ssettag $0x0;
	lr =	simm.s32 $0x1  }
0x2: {  	[smem:$0x3F94] =	sst lr;
	_ =	strace $0xD0000000  }
0x3: {  	_ = 	snop  }
0x4: {  	_ = 	snop  }
0x5: {  	_ = 	snop  }
0x6: {  	_ = 	snop  }
0x7: {  	_ = 	snop  }
__scs_overlays_trampoline_lowered:
0x8: {  	[smem:$0x3FA3] =	sst s0  }
0x9: {  	[smem:$0x3FA4] =	sst s1  }
0xa: {  	[smem:$0x3FA5] =	sst s2  }
0xb: {  	[smem:$0x3FA6] =	sst s3  }
0xc: {  	[smem:$0x3FA7] =	sst s4  }
0xd: {  	[smem:$0x3FA8] =	sst s5  }
0xe: {  	[smem:$0x3FA9] =	sst s6  }
0xf: {  	[smem:$0x3FAA] =	sst s7  }
0x10: {  	[smem:$0x3FAB] =	sst s8  }
0x11: {  	[smem:$0x3FAC] =	sst s9;
	s0 =	simm.s32 @!p0 $0x0  }
0x12: {  	s1 =	sld [smem:$0x3F92];
	s0 =	simm.s32 @p0 $0x1  }
0x13: {  	[smem:$0x3FAD] =	sst s0;
	s0 =	simm.s32 @!p1 $0x0  }
0x14: {  	s2 =	sld [smem:$0x3F91];
	s0 =	simm.s32 @p1 $0x1  }
0x15: {  	[smem:$0x3FAE] =	sst s0;
	s0 =	simm.s32 @!p2 $0x0  }
0x16: {  	s3 =	sld [smem:$0x3FDB];
	s0 =	simm.s32 @p2 $0x1  }
0x17: {  	s4 =	simm.s32 $0x1BF5;
	[smem:$0x3FB0] =	sst s0  }
0x18: {  	s0 =	sld [smem:$0x3F93];
	_ =	swait.ge [sflag:s4], $0x0  }
0x19: {  	s7 =	sld [smem:$0x3F94]  }
0x1a: {  	s8 =	sadd.s32 $0xFFFFE003, lr  }
0x1b: {  	s9 =	sadd.s32 $0xFFFFFEF7, lr;
	s5 =	simm.s32 $0xFFFFFFFF;
	p2 =	slt.u32 s8, $0xFFFFF086  }
0x1c: {  	p1 =	slt.u32 s9, $0xF7A;
	s5 =	simm.s32 @!p2 $0x0  }
0x1d: {  	s5 =	simm.s32 @p1 $0x1;
	p0 =	seq.s32 s7, s2  }
0x1e: {  	s7 =	smul.u32 @!p0 $0xF7A, s2;
	p2 =	seq.s32 @!p0 s5, $0x0  }
0x1f: {  	s9 =	smul.u32 $0xF7A, s1;
	s8 =	simm.s32 @!p0 $0x1BF5;
	p2 =	por !p2, p0  }
0x20: {  	[sflag:s8] =	ssyncset.s32 @!p0 $0xFFFFF086;
	s6 =	sadd.s32 @!p0 s3, s7;
	s7 =	simm.s32 @!p0 $0x108  }
0x21: {  	s3 =	sadd.s32 s3, s9;
	s6 =	sadd.s32 @!p0 $0x88, s6;
	s7 =	simm.s32 @p2 $0x1082  }
0x22: {  	[simem:s7], [sflag:s8] =	dma.local @!p0 [hbm:s6], $0xF7A  }
0x23: {  	s9 =	sor.u32 $0xD0000000, s2;
	s6 =	simm.s32 $0x108;
	_ =	swait.ge @!p0 [sflag:s8], $0x0  }
0x24: {  	s3 =	sadd.s32 $0x88, s3;
	s6 =	simm.s32 @!p1 $0x1082;
	[sflag:s4] =	ssyncset.s32 $0xFFFFF086  }
0x25: {  	[simem:s6], [sflag:s4] =	dma.local [hbm:s3], $0xF7A  }
0x26: {  	[smem:$0x3F94] =	sst s1;
	(tag) =	ssettag s2;
	_ =	strace s9  }
0x27: {  	s1 =	sld [smem:$0x3FA4]  }
0x28: {  	s2 =	sld [smem:$0x3FA5]  }
0x29: {  	s4 =	sld [smem:$0x3FA7]  }
0x2a: {  	p0 =	seq.s32 s5, $0x0;
	s5 =	sld [smem:$0x3FA8]  }
0x2b: {  	s6 =	sld [smem:$0x3FA9]  }
0x2c: {  	s7 =	sld [smem:$0x3FAA]  }
0x2d: {  	s3 =	simm.s32 $0x108;
	s8 =	sld [smem:$0x3FAB]  }
0x2e: {  	s3 =	simm.s32 @!p0 $0x1082;
	s9 =	sld [smem:$0x3FAC]  }
0x2f: {  	lr =	sadd.s32 s0, s3;
	s0 =	sld [smem:$0x3FA3]  }
0x30: {  	s3 =	sld [smem:$0x3FA6]  }
0x31: {  	[smem:$0x3FAF] =	sst s10  }
0x32: {  	s10 =	sld [smem:$0x3FAD];
	_ =	sdelay $0x3  }
0x33: {  	p0 =	seq.s32 s10, $0x1;
	s10 =	sld [smem:$0x3FAF];
	_ =	sdelay $0x3  }
0x34: {  	[smem:$0x3FAF] =	sst s10  }
0x35: {  	s10 =	sld [smem:$0x3FAE];
	_ =	sdelay $0x3  }
0x36: {  	p1 =	seq.s32 s10, $0x1;
	s10 =	sld [smem:$0x3FAF];
	_ =	sdelay $0x3  }
0x37: {  	[smem:$0x3FAF] =	sst s10  }
0x38: {  	s10 =	sld [smem:$0x3FB0]  }
0x39: {  	_ = 	snop;
	(pc) =	sbr.ind lr, $3  }
0x3a: {  	_ = 	snop  }
0x3b: {  	_ = 	snop  }
0x3c: {  	p2 =	seq.s32 s10, $0x1;
	s10 =	sld [smem:$0x3FAF]  }
0x3d: {  	_ =	shalt  }
0x3e: {  	_ =	shalt  }
0x3f: {  	_ =	shalt  }
0x40: {  	_ =	shalt  }
0x41: {  	_ =	shalt  }
0x42: {  	_ =	shalt  }
0x43: {  	_ =	shalt  }
0x44: {  	_ =	shalt  }
0x45: {  	_ =	shalt  }
0x46: {  	_ =	shalt  }
0x47: {  	_ =	shalt  }
0x48: {  	_ =	shalt  }
0x49: {  	_ =	shalt  }
0x4a: {  	_ =	shalt  }
0x4b: {  	_ =	shalt  }
0x4c: {  	_ =	shalt  }
0x4d: {  	_ =	shalt  }
0x4e: {  	_ =	shalt  }
0x4f: {  	_ =	shalt  }
0x50: {  	_ =	shalt  }
0x51: {  	_ =	shalt  }
0x52: {  	_ =	shalt  }
0x53: {  	_ =	shalt  }
0x54: {  	_ =	shalt  }
0x55: {  	_ =	shalt  }
0x56: {  	_ =	shalt  }
0x57: {  	_ =	shalt  }
0x58: {  	_ =	shalt  }
0x59: {  	_ =	shalt  }
0x5a: {  	_ =	shalt  }
0x5b: {  	_ =	shalt  }
0x5c: {  	_ =	shalt  }
0x5d: {  	_ =	shalt  }
0x5e: {  	_ =	shalt  }
0x5f: {  	_ =	shalt  }
0x60: {  	_ =	shalt  }
0x61: {  	_ =	shalt  }
0x62: {  	_ =	shalt  }
0x63: {  	_ =	shalt  }
0x64: {  	_ =	shalt  }
0x65: {  	_ =	shalt  }
0x66: {  	_ =	shalt  }
0x67: {  	_ =	shalt  }
0x68: {  	_ =	shalt  }
0x69: {  	_ =	shalt  }
0x6a: {  	_ =	shalt  }
0x6b: {  	_ =	shalt  }
0x6c: {  	_ =	shalt  }
0x6d: {  	_ =	shalt  }
0x6e: {  	_ =	shalt  }
0x6f: {  	_ =	shalt  }
0x70: {  	_ =	shalt  }
0x71: {  	_ =	shalt  }
0x72: {  	_ =	shalt  }
0x73: {  	_ =	shalt  }
0x74: {  	_ =	shalt  }
0x75: {  	_ =	shalt  }
0x76: {  	_ =	shalt  }
0x77: {  	_ =	shalt  }
0x78: {  	_ =	shalt  }
0x79: {  	_ =	shalt  }
0x7a: {  	_ =	shalt  }
0x7b: {  	_ =	shalt  }
0x7c: {  	_ =	shalt  }
0x7d: {  	_ =	shalt  }
0x7e: {  	_ =	shalt  }
0x7f: {  	_ =	shalt  }
0x80: {  	_ =	shalt  }
0x81: {  	_ =	shalt  }
0x82: {  	_ =	shalt  }
0x83: {  	_ =	shalt  }
0x84: {  	_ =	shalt  }
0x85: {  	_ =	shalt  }
0x86: {  	_ =	shalt  }
0x87: {  	_ =	shalt  }
.Lfunc_end0:
.L_simem_size_0:
called_computation.3_lowered:
.L_overlay_start_0:
0x88: {  	s2 =	sld [smem:$0x3FD9]  }
0x89: {  	s3 =	sld [smem:$0x3FFE];
	_ =	sdelay $0x1  }
0x8a: {  	s1 =	srdreg.scid  }
0x8b: {  	s0 =	sand.u32 $0x1, s1  }
0x8c: {  	s16 =	sshll.u32 s0, $0xA;
	s2 =	sadd.s32 s3, s2  }
0x8d: {  	s2 =	sadd.s32 s2, s16  }
0x8e: {  	[smem:$0x3FBB] =	sst s2  }
0x8f: {  	_ = 	snop  }
0x90: {  	(tm) =	ssettm $0x1  }
0x91: {  	s17 =	sld [smem:$0x3FFB];
	_ =	sdelay $0x3  }
0x92: {  	_ =	strace s17  }
0x93: {  	s2 =	sld [smem:$0x3FFC];
	_ =	sdelay $0x3  }
0x94: {  	_ =	strace s2  }
0x95: {  	s2 =	sld [smem:$0x3FFD];
	_ =	sdelay $0x3  }
0x96: {  	_ =	strace s2  }
0x97: {  	_ =	strace $0x8FFFFFFF  }
0x98: {  	s18 =	sld [smem:$0x3FDB];
	_ =	sdelay $0x1  }
0x99: {  	s19 =	simm.s32 $_scs_section_size  }
0x9a: {  	s4 =	simm.s32 $_size__tile_overlayer_lowered;
	s5 =	simm.s32 $_tile_overlayer_lowered  }
0x9b: {  	s22 =	simm.s32 $0x1BFF;
	s21 =	sshll.u32 s5, $0x1;
	s2 =	sadd.s32 s19, s18  }
0x9c: {  	s6 =	simm.s32 $0x0;
	s20 =	sshll.u32 s4, $0x1;
	s4 =	sadd.s32 s21, s2  }
0x9d: {  	[timem:s6], [sflag:s22] =	dma.local [hbm:s4], s20  }
0x9e: {  	_ =	swait.ge [sflag:s22], s20  }
0x9f: {  	s3 =	ssub.s32 $0x0, s20;
	[sflag:s22] =	ssyncset.done $0x0  }
0xa0: {  	[sflag:s22] =	ssyncadd.s32 s3;
	_ =	sdelay $0x1  }
0xa1: {  	s23 =	simm.s32 $0x1B8B  }
0xa2: {  	_ =	swait.ge [sflag:s23], $0x1  }
0xa3: {  	[sflag:s23] =	ssyncset.done $0x0  }
0xa4: {  	s25 =	simm.s32 $0x1B8E;
	s24 =	sld [smem:$0x3FFE];
	[sflag:s23] =	ssyncadd.s32 $0xFFFFFFFF  }
0xa5: {  	s26 =	simm.s32 $execute0_lowered;
	[smem:$0x3FD2] =	sst s25  }
0xa6: {  	s4 =	sshll.u32 s26, $0x1;
	_ =	strace $0x8000004F;
	[dreg:$0x1] =	wrdreg $0xFFFFFFFF  }
0xa7: {  	s28 =	simm.s32 $_size_execute0_lowered;
	s2 =	sadd.s32 s2, s4;
	[dreg:$0x0] =	wrdreg $0x0  }
0xa8: {  	s4 =	sshll.u32 s28, $0x1;
	[dreg:$0x2] =	wrdreg s2  }
0xa9: {  	[dreg:$0x3] =	wrdreg s4  }
0xaa: {  	[dreg:$0x4] =	wrdreg $0xC0  }
0xab: {  	_ =	task [dreg:s6], $0x5FFFF  }
0xac: {  	[dreg:$0x1] =	wrdreg $0xFFFFFFFF  }
0xad: {  	[dreg:$0x0] =	wrdreg $0x60  }
0xae: {  	[dreg:$0x2] =	wrdreg s24  }
0xaf: {  	[dreg:$0x3] =	wrdreg $0x0  }
0xb0: {  	[dreg:$0x4] =	wrdreg $0x9  }
0xb1: {  	_ =	task.clear_ibuf [dreg:s6], $0x5FFFF;
	_ =	strace $0x9000004F  }
0xb2: {  	s29 =	simm.s32 $0x9;
	_ =	strace $0x80000051  }
0xb3: {  	_ =	swait.ge [sflag:s29], $0x1  }
0xb4: {  	[sflag:s29] =	ssyncadd.s32 $0xFFFFFFFF  }
0xb5: {  	_ =	strace $0x90000051  }
0xb6: {  	_ =	sfence  }
0xb7: {  	s30 =	sld [smem:$0x0];
	_ =	sdelay $0x2  }
0xb8: {  	s31 =	sshll.u32 s1, $0xD;
	s1 =	sshrl.u32 s1, $0x2  }
0xb9: {  	s3 =	sand.u32 $0x4000, s31;
	s1 =	sadd.s32 s1, s30  }
0xba: {  	s0 =	sor.u32 s3, s0;
	s1 =	sshll.u32 s1, $0x11  }
0xbb: {  	s0 =	sor.u32 s1, s0  }
0xbc: {  	s0 =	sadd.s32 $0x8F2B, s0  }
0xbd: {  	[sflag:s0] =	ssyncadd.remote.s32 $0x1  }
0xbe: {  	_ =	sfence.sel $0xFFFF  }
0xbf: {  	[dreg:$0x0] =	wrdreg $0xFFFFFFFF;
	(pc) =	sbr.abs _section_cstart, $3  }
0xc0: {  	[dreg:$0x1] =	wrdreg $0xFFFFFFFF  }
0xc1: {  	_ =	task.clear_ibuf [dreg:s6], $0x2FFFF;
	_ =	strace $0x9FFFFFFF  }
0xc2: {  	(tm) =	ssettm $0x7FFFFFFF  }
0xc3: {  	_ =	shalt  }
tec
execute0_lowered:
.L_overlay_start_1:
0x0: {  	(tag) =	ssettag $0x1  }
0x1: {  	s6 =	rddreg [dreg:$0x0]  }
0x2: {  	s0 =	stileid.u32;
	s1 =	srdreg.scid  }
0x3: {  	s2 =	rddreg [dreg:$0x1];
	s3 =	simm.s32 $0x0;
	s22 =	simm.s32 $0x14000  }
0x4: {  	s23 =	simm.s32 $0x14080;
	s24 =	simm.s32 $0x80;
	s25 =	simm.s32 $0x14100  }
0x5: {  	s26 =	simm.s32 $0x1;
	s28 =	simm.s32 $0x0;
	s5 =	smul.u32 $0xA00, s0  }
0x6: {  	s7 =	sand.u32 $0x1, s1;
	[smem:$0x7FF] =	sst s3;
	s9 =	smul.u32 $0x14000, s0  }
0x7: {  	s4 =	sadd.s32 $0x18800, s6;
	s29 =	smul.u32 $0x50000, s0;
	s31 =	sshll.u32 s0, $0x6  }
0x8: {  	s8 =	smul.u32 $0x140000, s7;
	_ =	strace $0x80000050;
	s11 =	ssub.s32 $0x2, s7  }
0x9: {  	s7 =	smul.u32 $0x500, s7;
	s10 =	sadd.s32 s5, s6;
	s5 =	sadd.s32 $0xDC00, s6  }
0xa: {  	s30 =	sshrl.u32 s11, $0x1;
	s8 =	sadd.s32 s9, s8;
	s9 =	sshrl.u32 s29, $0x2  }
0xb: {  	s11 =	ssub.s32 s11, s30;
	s10 =	sadd.s32 s7, s10;
	s8 =	sshrl.u32 s8, $0x3  }
0xc: {  	s12 =	sadd.s32 s9, s2;
	s9 =	sadd.s32 $0x3C00, s10;
	s10 =	sadd.s32 $0xE800, s10  }
0xd: {  	s8 =	sadd.s32 s8, s6;
	s6 =	sor.u32 $0x1C02, s31;
	s13 =	sadd.s32 $0x2000, s12  }
0xe: {  	s14 =	sadd.s32 $0x4000, s12;
	s15 =	sadd.s32 $0x6000, s12;
	s16 =	sadd.s32 $0x8000, s12  }
0xf: {  	s17 =	sadd.s32 $0xA000, s12;
	s18 =	sadd.s32 $0xC000, s12;
	s19 =	sadd.s32 $0xE000, s12  }
0x10: {  	s20 =	sadd.s32 $0x10000, s12;
	s21 =	sadd.s32 $0x12000, s12;
	s7 =	sadd.s32 $0x3FA00, s8  }
0x11: {  	s8 =	smax.u32 s11, $0x1;
	s11 =	sshrl.u32 s12, $0x3;
	s12 =	simm.s32 $0x2  }
0x12: {  	s13 =	sshrl.u32 s13, $0x3;
	s14 =	sshrl.u32 s14, $0x3;
	s15 =	sshrl.u32 s15, $0x3  }
0x13: {  	s16 =	sshrl.u32 s16, $0x3;
	s17 =	sshrl.u32 s17, $0x3;
	s18 =	sshrl.u32 s18, $0x3  }
0x14: {  	s19 =	sshrl.u32 s19, $0x3;
	s20 =	sshrl.u32 s20, $0x3;
	s21 =	sshrl.u32 s21, $0x3  }
.LBB2_1:
0x15: {  	[spmem:s11], [sflag:s6] =	dma.local [hbm:s5], $0x400  }
0x16: {  	_ =	swait.ge [sflag:s12], $0x400  }
0x17: {  	[sflag:s12] =	ssyncset.done $0x0  }
0x18: {  	[sflag:s12] =	ssyncadd.s32 $0xFFFFFC00  }
0x19: {  	[spmem:s13], [sflag:s6] =	dma.local [hbm:s5], $0x400  }
0x1a: {  	_ =	swait.ge [sflag:s12], $0x400  }
0x1b: {  	[sflag:s12] =	ssyncset.done $0x0  }
0x1c: {  	[sflag:s12] =	ssyncadd.s32 $0xFFFFFC00  }
0x1d: {  	[spmem:s14], [sflag:s6] =	dma.local [hbm:s5], $0x400  }
0x1e: {  	_ =	swait.ge [sflag:s12], $0x400  }
0x1f: {  	[sflag:s12] =	ssyncset.done $0x0  }
0x20: {  	[sflag:s12] =	ssyncadd.s32 $0xFFFFFC00  }
0x21: {  	[spmem:s15], [sflag:s6] =	dma.local [hbm:s5], $0x400  }
0x22: {  	_ =	swait.ge [sflag:s12], $0x400  }
0x23: {  	[sflag:s12] =	ssyncset.done $0x0  }
0x24: {  	[sflag:s12] =	ssyncadd.s32 $0xFFFFFC00  }
0x25: {  	[spmem:s16], [sflag:s6] =	dma.local [hbm:s5], $0x400  }
0x26: {  	_ =	swait.ge [sflag:s12], $0x400  }
0x27: {  	[sflag:s12] =	ssyncset.done $0x0  }
0x28: {  	[sflag:s12] =	ssyncadd.s32 $0xFFFFFC00  }
0x29: {  	[spmem:s17], [sflag:s6] =	dma.local [hbm:s5], $0x400  }
0x2a: {  	_ =	swait.ge [sflag:s12], $0x400  }
0x2b: {  	[sflag:s12] =	ssyncset.done $0x0  }
0x2c: {  	[sflag:s12] =	ssyncadd.s32 $0xFFFFFC00  }
0x2d: {  	[spmem:s18], [sflag:s6] =	dma.local [hbm:s5], $0x400  }
0x2e: {  	_ =	swait.ge [sflag:s12], $0x400  }
0x2f: {  	[sflag:s12] =	ssyncset.done $0x0  }
0x30: {  	[sflag:s12] =	ssyncadd.s32 $0xFFFFFC00  }
0x31: {  	[spmem:s19], [sflag:s6] =	dma.local [hbm:s5], $0x400  }
0x32: {  	_ =	swait.ge [sflag:s12], $0x400  }
0x33: {  	[sflag:s12] =	ssyncset.done $0x0  }
0x34: {  	[sflag:s12] =	ssyncadd.s32 $0xFFFFFC00  }
0x35: {  	[spmem:s20], [sflag:s6] =	dma.local [hbm:s5], $0x400  }
0x36: {  	_ =	swait.ge [sflag:s12], $0x400  }
0x37: {  	[sflag:s12] =	ssyncset.done $0x0  }
0x38: {  	[sflag:s12] =	ssyncadd.s32 $0xFFFFFC00  }
0x39: {  	[spmem:s21], [sflag:s6] =	dma.local [hbm:s5], $0x400  }
0x3a: {  	_ =	swait.ge [sflag:s12], $0x400  }
0x3b: {  	[sflag:s12] =	ssyncset.done $0x0  }
0x3c: {  	[sflag:s12] =	ssyncadd.s32 $0xFFFFFC00  }
0x3d: {  	s29 =	sadd.s32 $0x0, s10;
	[bflag:$0x0] =	sbarrier.arrive $0xFFFF  }
0x3e: {  	[tilespmem:s22], [sflag:$0x2] =	stream.linear.gather [hbm4b:s29+s3], $0x80, $0x38;
	[tilespmem:$0x18100] =	vst v63  }
0x3f: {  	_ =	swait.ge [sflag:s12], $0x80  }
0x40: {  	[sflag:s12] =	ssyncset.done $0x0  }
0x41: {  	s29 =	sadd.s32 $0x0, s9;
	[sflag:s12] =	ssyncadd.s32 $0xFFFFFF80  }
0x42: {  	[tilespmem:s23], [sflag:$0x2] =	stream.linear.gather [hbm4b:s29+s3], $0x80, $0x38;
	[tilespmem:$0x18100] =	vst v63  }
0x43: {  	_ =	swait.ge [sflag:s12], $0x80  }
0x44: {  	[sflag:s12] =	ssyncset.done $0x0  }
0x45: {  	[sflag:s12] =	ssyncadd.s32 $0xFFFFFF80  }
0x46: {  	[tilespmem:s25], [sflag:$0x1] =	stream.indirect.gather [hbm4b:s4+s24], $0x80, s22, s24, $0xb8;
	[tilespmem:$0x18100] =	vst v63  }
0x47: {  	_ =	swait.ge [sflag:s26], $0x4000  }
0x48: {  	[sflag:s26] =	ssyncset.done $0x0  }
0x49: {  	[sflag:s26] =	ssyncadd.s32 $0xFFFFC000  }
0x4a: {  	[spmem:s2] =	stream.indirect.scatter.add.f32 [tilespmem:s25], [sflag:$0x2], $0x80, s23, s24, $0xb8;
	[tilespmem:$0x18100] =	vst v63  }
0x4b: {  	_ =	swait.ge [sflag:s12], $0x4000  }
0x4c: {  	s30 =	simm.s32 $0x20;
	s29 =	simm.s32 $0x10;
	[sflag:s12] =	ssyncset.done $0x0  }
.LBB2_2:
0x4d: {  	s31 =	sadd.s32 s29, s10  }
0x4e: {  	[sflag:s12] =	ssyncadd.s32 $0xFFFFC000;
	s1 =	smov.u32 s30;
	s0 =	sadd.s32 $0x10, s30  }
0x4f: {  	[tilespmem:s22], [sflag:$0x2] =	stream.linear.gather [hbm4b:s31+s3], $0x80, $0x38;
	[tilespmem:$0x18100] =	vst v63  }
0x50: {  	p0 =	sne.s32 s30, $0x4F0;
	_ =	swait.ge [sflag:s12], $0x80  }
0x51: {  	[sflag:s12] =	ssyncset.done $0x0  }
0x52: {  	s30 =	sadd.s32 s29, s9;
	s29 =	smov.u32 s1;
	[sflag:s12] =	ssyncadd.s32 $0xFFFFFF80  }
0x53: {  	[tilespmem:s23], [sflag:$0x2] =	stream.linear.gather [hbm4b:s30+s3], $0x80, $0x38;
	[tilespmem:$0x18100] =	vst v63  }
0x54: {  	_ =	swait.ge [sflag:s12], $0x80  }
0x55: {  	[sflag:s12] =	ssyncset.done $0x0  }
0x56: {  	[sflag:s12] =	ssyncadd.s32 $0xFFFFFF80  }
0x57: {  	[tilespmem:s25], [sflag:$0x1] =	stream.indirect.gather [hbm4b:s4+s24], $0x80, s22, s24, $0xb8;
	[tilespmem:$0x18100] =	vst v63  }
0x58: {  	_ =	swait.ge [sflag:s26], $0x4000  }
.Ltmp0:
0x59: {  	[sflag:s26] =	ssyncset.done $0x0;
	(pc) =	sbr.rel @p0 .LBB2_2-.Ltmp0, $4  }
0x5a: {  	[sflag:s26] =	ssyncadd.s32 $0xFFFFC000  }
0x5b: {  	[spmem:s2] =	stream.indirect.scatter.add.f32 [tilespmem:s25], [sflag:$0x2], $0x80, s23, s24, $0xb8;
	[tilespmem:$0x18100] =	vst v63  }
0x5c: {  	_ =	swait.ge [sflag:s12], $0x4000  }
0x5d: {  	s30 =	smov.u32 s0;
	[sflag:s12] =	ssyncset.done $0x0  }
0x5e: {  	s0 =	sadd.s32 s29, s10;
	[sflag:s12] =	ssyncadd.s32 $0xFFFFC000  }
0x5f: {  	[tilespmem:s22], [sflag:$0x2] =	stream.linear.gather [hbm4b:s0+s3], $0x80, $0x38;
	[tilespmem:$0x18100] =	vst v63  }
0x60: {  	_ =	swait.ge [sflag:s12], $0x80  }
0x61: {  	[sflag:s12] =	ssyncset.done $0x0  }
0x62: {  	s31 =	sadd.s32 s29, s9;
	[sflag:s12] =	ssyncadd.s32 $0xFFFFFF80  }
0x63: {  	[tilespmem:s23], [sflag:$0x2] =	stream.linear.gather [hbm4b:s31+s3], $0x80, $0x38;
	[tilespmem:$0x18100] =	vst v63  }
0x64: {  	_ =	swait.ge [sflag:s12], $0x80  }
0x65: {  	[sflag:s12] =	ssyncset.done $0x0  }
0x66: {  	[sflag:s12] =	ssyncadd.s32 $0xFFFFFF80  }
0x67: {  	[tilespmem:s25], [sflag:$0x1] =	stream.indirect.gather [hbm4b:s4+s24], $0x80, s22, s24, $0xb8;
	[tilespmem:$0x18100] =	vst v63  }
0x68: {  	_ =	swait.ge [sflag:s26], $0x4000  }
0x69: {  	[sflag:s26] =	ssyncset.done $0x0  }
0x6a: {  	[sflag:s26] =	ssyncadd.s32 $0xFFFFC000  }
0x6b: {  	[spmem:s2] =	stream.indirect.scatter.add.f32 [tilespmem:s25], [sflag:$0x2], $0x80, s23, s24, $0xb8;
	[tilespmem:$0x18100] =	vst v63  }
0x6c: {  	_ =	swait.ge [sflag:s12], $0x4000  }
0x6d: {  	s28 =	sadd.s32 $0x1, s28;
	[sflag:s12] =	ssyncset.done $0x0  }
0x6e: {  	p0 =	sne.s32 s28, s8;
	[sflag:s12] =	ssyncadd.s32 $0xFFFFC000  }
.Ltmp1:
0x6f: {  	[bflag:$0x0] =	sbarrier.arrive $0xFFFF;
	(pc) =	sbr.rel @p0 .LBB2_1-.Ltmp1, $4  }
0x70: {  	[hbm:s7], [sflag:s6] =	dma.local [spmem:s11], $0x2800  }
0x71: {  	_ =	swait.ge [sflag:s12], $0x2800  }
0x72: {  	[sflag:s12] =	ssyncset.done $0x0  }
0x73: {  	[sflag:s12] =	ssyncadd.s32 $0xFFFFD800  }
0x74: {  	_ =	sfence.sel $0x180000  }
0x75: {  	[bflag:$0x0] =	sbarrier.arrive $0xFFFF  }
0x76: {  	_ =	strace $0x90000050  }
0x77: {  	s0 =	stileid.u32;
	[bflag:$0x2] =	sbarrier.arrive $0xFFFF  }
0x78: {  	p0 =	sne.s32 s0, $0x0;
	s0 =	rddreg [dreg:$0x2]  }
0x79: {  	s0 =	sadd.s32 @!p0 $0x100000, s0  }
0x7a: {  	[sflag:s0] =	ssyncadd.tile.s32 @!p0 $0x1;
	_ =	shalt  }
.Lfunc_end2:
_tile_overlayer_lowered:
.L_overlay_start_2:
0x7b: {  	(tag) =	ssettag $0x2  }
0x7c: {  	s0 =	rddreg [dreg:$0x0];
	s2 =	stileid.u32  }
0x7d: {  	s1 =	rddreg [dreg:$0x1];
	p0 =	sne.s32 s2, $0x0  }
0x7e: {  	s3 =	rddreg [dreg:$0x2];
	[bflag:$0x3] =	sbarrier.arrive $0xFFFF;
	s2 =	simm.s32 @!p0 $0x1C02  }
0x7f: {  	[timem:s3], [sflag:s2] =	dma.local @!p0 [hbm:s0], s1  }
0x80: {  	s0 =	simm.s32 @!p0 $0x2  }
0x81: {  	_ =	swait.ge @!p0 [sflag:s0], s1  }
0x82: {  	s1 =	ssub.s32 @!p0 $0x0, s1;
	[sflag:s0] =	ssyncset.done @!p0 $0x0  }
0x83: {  	[sflag:s0] =	ssyncadd.s32 @!p0 s1  }
0x84: {  	[bflag:$0x3] =	sbarrier.arrive $0xFFFF  }
0x85: {  	_ =	shalt  }

</sc_bundles>
